<compile_context>
chip_gen: v7x
topology: tpu7x:2x2x1
jax: 0.10.2.dev20260603
libtpu: 0.0.44.dev20260713+nightly
codegen_flags: <defaults>
</compile_context>

<pallas_src>
import functools

import jax
import jax.numpy as jnp
from jax import lax
from jax.experimental import pallas as pl
from jax.experimental.pallas import tpu as pltpu
from jax.experimental.pallas import tpu_sc as plsc

_DEMB = 768
_NC = 2
_NS = 16
_NW = _NC * _NS
_B = 32768
_BPW = _B // _NW
_C = 16
_NB = 8
_NCHUNK = _BPW // _C

_mesh = plsc.VectorSubcoreMesh(core_axis_name="c", subcore_axis_name="s")


@functools.partial(
    pl.kernel,
    out_type=jax.ShapeDtypeStruct((_B, _DEMB), jnp.float32),
    mesh=_mesh,
    scratch_types=[
        pltpu.VMEM((_BPW,), jnp.int32),
        pltpu.VMEM((_NB, _C, _DEMB), jnp.float32),
        pltpu.SemaphoreType.DMA((_NB,)),
        pltpu.SemaphoreType.DMA((_NB,)),
    ],
)
def _emb_gather(idx_hbm, table_hbm, out_hbm, idx_v, buf, gsem, ssem):
    wid = lax.axis_index("s") * _NC + lax.axis_index("c")
    base = wid * _BPW
    pltpu.sync_copy(idx_hbm.at[pl.ds(base, _BPW)], idx_v)

    def gather_handle(c):
        b = c % _NB
        return pltpu.make_async_copy(
            table_hbm.at[idx_v.at[pl.ds(c * _C, _C)]], buf.at[b], gsem.at[b]
        )

    def store_handle(c):
        b = c % _NB
        return pltpu.make_async_copy(
            buf.at[b], out_hbm.at[pl.ds(base + c * _C, _C)], ssem.at[b]
        )

    for c in range(_NB - 1):
        gather_handle(c).start()

    def chunk_body(c, carry):
        gather_handle(c).wait()
        store_handle(c).start()
        g = c + _NB - 1

        @pl.when(jnp.logical_and(c >= 1, g < _NCHUNK))
        def _():
            store_handle(g - _NB).wait()

        @pl.when(g < _NCHUNK)
        def _():
            gather_handle(g).start()

        return carry

    lax.fori_loop(0, _NCHUNK, chunk_body, 0)
    for c in range(_NCHUNK - _NB, _NCHUNK):
        store_handle(c).wait()


def kernel(pos_seq, pos_emb):
    d = pos_emb.shape[-1]
    idx = pos_seq.reshape(-1).astype(jnp.int32)
    out = _emb_gather(idx, pos_emb)
    return out.reshape(pos_seq.shape + (d,))

# --- scband reference (transcript-rebuilt; emitter-appended) ---
"""Pipeline reference for scband-positional-embedding-12850542150542 (READ-ONLY COPY).

The authoritative reference and input builder live on the scoring server;
editing this copy changes nothing except your own understanding.
"""

import jax, jax.numpy as jnp
import numpy as np

DEMB = 768
MAX_POSITION = 8192
BATCH = 4
SEQ_LEN = 8192


def setup_inputs(seed: int = 0) -> dict:
    key = jax.random.key(seed)
    k1, k2 = jax.random.split(key)
    # pos_seq: higher-dimensional positional indices [batch, seq_len]
    pos_seq = jax.random.randint(k1, (BATCH, SEQ_LEN), 0, MAX_POSITION)
    # learned positional embedding table, init normal(0, 0.02) as in nn.init.normal_
    pos_emb = jax.random.normal(k2, (MAX_POSITION, DEMB), dtype=jnp.float32) * 0.02
    return {"pos_seq": pos_seq, "pos_emb": pos_emb}


def reference(pos_seq, pos_emb):
    # mode='learned', pe_order='row-major' (no permutation), bsz=None
    # pos_seq.dim() > 1 so no unsqueeze/expand; output is pos_emb[pos_seq]
    pos_seq = pos_seq.astype(jnp.int32)
    out = jnp.take(pos_emb, pos_seq, axis=0)  # [batch, seq_len, demb]
    return out

if __name__ == "__main__":
    import jax
    _d = setup_inputs()
    print(jax.jit(kernel)(*tuple(_d.values())))

</pallas_src>

<mosaic_0001>
#map = affine_map<(d0, d1) -> (0)>
#map1 = affine_map<(d0, d1) -> (0, 0)>
module attributes {stable_mosaic.version = 14 : i64} {
  func.func @_emb_gather(%arg0: i32, %arg1: i32, %arg2: memref<32768xi32, #tpu.memory_space<hbm>>, %arg3: memref<8192x768xf32, #tpu.memory_space<hbm>>, %arg4: memref<32768x768xf32, #tpu.memory_space<hbm>>, %arg5: memref<1024xi32, #tpu.memory_space<vmem>>, %arg6: memref<8x16x768xf32, #tpu.memory_space<vmem>>, %arg7: memref<8x!tpu.dma_semaphore, #tpu.memory_space<semaphore_mem>>, %arg8: memref<8x!tpu.dma_semaphore, #tpu.memory_space<semaphore_mem>>) attributes {dimension_semantics = [#tpu.dimension_semantics<core_parallel>, #tpu.dimension_semantics<subcore_parallel>], iteration_bounds = array<i64: 2, 16>, scalar_prefetch = 0 : i64, scratch_operands = 4 : i64, tpu.core_type = #tpu.core_type<sc_vector_subcore>, window_params = [{transform_indices = #map}, {transform_indices = #map1}, {transform_indices = #map1}]} {
    %mul3A = arith.constant 2 : i32
    %mul3A_0 = arith.muli %arg1, %mul3A : i32
    %add3A = arith.addi %mul3A_0, %arg0 : i32
    %mul3A_1 = arith.constant 1024 : i32
    %mul3A_2 = arith.muli %add3A, %mul3A_1 : i32
    "tpu.region"() ({
      %run_scoped3A = tpu.sem_alloc : memref<!tpu.dma_semaphore, #tpu.memory_space<semaphore_mem>>
      %dma_start3A_241 = tpu.memref_slice %arg2[%mul3A_2] : memref<32768xi32, #tpu.memory_space<hbm>> -> memref<1024xi32, #tpu.memory_space<hbm>>
      %dma_start3A_242 = tpu.memref_slice %arg2[%mul3A_2] : memref<32768xi32, #tpu.memory_space<hbm>> -> memref<1024xi32, #tpu.memory_space<hbm>>
      tpu.enqueue_dma source(%dma_start3A_242 : memref<1024xi32, #tpu.memory_space<hbm>>) target(%arg5 : memref<1024xi32, #tpu.memory_space<vmem>>) target_semaphore(%run_scoped3A : memref<!tpu.dma_semaphore, #tpu.memory_space<semaphore_mem>>)
      %dma_wait3A_243 = tpu.memref_slice %arg2[%mul3A_2] : memref<32768xi32, #tpu.memory_space<hbm>> -> memref<1024xi32, #tpu.memory_space<hbm>>
      %dma_wait3A_244 = tpu.memref_slice %arg2[%mul3A_2] : memref<32768xi32, #tpu.memory_space<hbm>> -> memref<1024xi32, #tpu.memory_space<hbm>>
      tpu.wait_dma2 semaphore(%run_scoped3A : memref<!tpu.dma_semaphore, #tpu.memory_space<semaphore_mem>>) src(%dma_wait3A_244 : memref<1024xi32, #tpu.memory_space<hbm>>) dst(%arg5 : memref<1024xi32, #tpu.memory_space<vmem>>)
      tpu.yield
    }) : () -> ()
    %dma_start3A = arith.constant 0 : i32
    %dma_start3A_3 = arith.constant 0 : i32
    %dma_start3A_4 = arith.constant 0 : i32
    %dma_start3A_5 = arith.constant 0 : i32
    %dma_start3A_6 = tpu.memref_slice %arg6[%dma_start3A, %dma_start3A_4, %dma_start3A_5] : memref<8x16x768xf32, #tpu.memory_space<vmem>> -> memref<1x16x768xf32, #tpu.memory_space<vmem>>
    %dma_start3A_7 = tpu.memref_squeeze %dma_start3A_6 : memref<1x16x768xf32, #tpu.memory_space<vmem>> -> memref<16x768xf32, #tpu.memory_space<vmem>>
    %dma_start3A_8 = arith.constant 0 : i32
    %dma_start3A_9 = tpu.memref_slice %arg5[%dma_start3A_8] : memref<1024xi32, #tpu.memory_space<vmem>> -> memref<16xi32, #tpu.memory_space<vmem>>
    %dma_start3A_10 = arith.constant 0 : i32
    %dma_start3A_11 = arith.constant 0 : i32
    %dma_start3A_12 = tpu.memref_slice %arg3[%dma_start3A_10, %dma_start3A_11] : memref<8192x768xf32, #tpu.memory_space<hbm>> -> memref<8192x768xf32, #tpu.memory_space<hbm>>
    %dma_start3A_13 = tpu.memref_slice %arg7[%dma_start3A_3] : memref<8x!tpu.dma_semaphore, #tpu.memory_space<semaphore_mem>> -> memref<1x!tpu.dma_semaphore, #tpu.memory_space<semaphore_mem>>
    %dma_start3A_14 = tpu.memref_squeeze %dma_start3A_13 : memref<1x!tpu.dma_semaphore, #tpu.memory_space<semaphore_mem>> -> memref<!tpu.dma_semaphore, #tpu.memory_space<semaphore_mem>>
    tpu.enqueue_indirect_dma source(%dma_start3A_12 : memref<8192x768xf32, #tpu.memory_space<hbm>>) target(%dma_start3A_7 : memref<16x768xf32, #tpu.memory_space<vmem>>) offsets(%dma_start3A_9 : memref<16xi32, #tpu.memory_space<vmem>>) semaphore(%dma_start3A_14 : memref<!tpu.dma_semaphore, #tpu.memory_space<semaphore_mem>>)
    %dma_start3A_15 = arith.constant 1 : i32
    %dma_start3A_16 = arith.constant 1 : i32
    %dma_start3A_17 = arith.constant 0 : i32
    %dma_start3A_18 = arith.constant 0 : i32
    %dma_start3A_19 = tpu.memref_slice %arg6[%dma_start3A_15, %dma_start3A_17, %dma_start3A_18] : memref<8x16x768xf32, #tpu.memory_space<vmem>> -> memref<1x16x768xf32, #tpu.memory_space<vmem>>
    %dma_start3A_20 = tpu.memref_squeeze %dma_start3A_19 : memref<1x16x768xf32, #tpu.memory_space<vmem>> -> memref<16x768xf32, #tpu.memory_space<vmem>>
    %dma_start3A_21 = arith.constant 16 : i32
    %dma_start3A_22 = tpu.memref_slice %arg5[%dma_start3A_21] : memref<1024xi32, #tpu.memory_space<vmem>> -> memref<16xi32, #tpu.memory_space<vmem>>
    %dma_start3A_23 = arith.constant 0 : i32
    %dma_start3A_24 = arith.constant 0 : i32
    %dma_start3A_25 = tpu.memref_slice %arg3[%dma_start3A_23, %dma_start3A_24] : memref<8192x768xf32, #tpu.memory_space<hbm>> -> memref<8192x768xf32, #tpu.memory_space<hbm>>
    %dma_start3A_26 = tpu.memref_slice %arg7[%dma_start3A_16] : memref<8x!tpu.dma_semaphore, #tpu.memory_space<semaphore_mem>> -> memref<1x!tpu.dma_semaphore, #tpu.memory_space<semaphore_mem>>
    %dma_start3A_27 = tpu.memref_squeeze %dma_start3A_26 : memref<1x!tpu.dma_semaphore, #tpu.memory_space<semaphore_mem>> -> memref<!tpu.dma_semaphore, #tpu.memory_space<semaphore_mem>>
    tpu.enqueue_indirect_dma source(%dma_start3A_25 : memref<8192x768xf32, #tpu.memory_space<hbm>>) target(%dma_start3A_20 : memref<16x768xf32, #tpu.memory_space<vmem>>) offsets(%dma_start3A_22 : memref<16xi32, #tpu.memory_space<vmem>>) semaphore(%dma_start3A_27 : memref<!tpu.dma_semaphore, #tpu.memory_space<semaphore_mem>>)
    %dma_start3A_28 = arith.constant 2 : i32
    %dma_start3A_29 = arith.constant 2 : i32
    %dma_start3A_30 = arith.constant 0 : i32
    %dma_start3A_31 = arith.constant 0 : i32
    %dma_start3A_32 = tpu.memref_slice %arg6[%dma_start3A_28, %dma_start3A_30, %dma_start3A_31] : memref<8x16x768xf32, #tpu.memory_space<vmem>> -> memref<1x16x768xf32, #tpu.memory_space<vmem>>
    %dma_start3A_33 = tpu.memref_squeeze %dma_start3A_32 : memref<1x16x768xf32, #tpu.memory_space<vmem>> -> memref<16x768xf32, #tpu.memory_space<vmem>>
    %dma_start3A_34 = arith.constant 32 : i32
    %dma_start3A_35 = tpu.memref_slice %arg5[%dma_start3A_34] : memref<1024xi32, #tpu.memory_space<vmem>> -> memref<16xi32, #tpu.memory_space<vmem>>
    %dma_start3A_36 = arith.constant 0 : i32
    %dma_start3A_37 = arith.constant 0 : i32
    %dma_start3A_38 = tpu.memref_slice %arg3[%dma_start3A_36, %dma_start3A_37] : memref<8192x768xf32, #tpu.memory_space<hbm>> -> memref<8192x768xf32, #tpu.memory_space<hbm>>
    %dma_start3A_39 = tpu.memref_slice %arg7[%dma_start3A_29] : memref<8x!tpu.dma_semaphore, #tpu.memory_space<semaphore_mem>> -> memref<1x!tpu.dma_semaphore, #tpu.memory_space<semaphore_mem>>
    %dma_start3A_40 = tpu.memref_squeeze %dma_start3A_39 : memref<1x!tpu.dma_semaphore, #tpu.memory_space<semaphore_mem>> -> memref<!tpu.dma_semaphore, #tpu.memory_space<semaphore_mem>>
    tpu.enqueue_indirect_dma source(%dma_start3A_38 : memref<8192x768xf32, #tpu.memory_space<hbm>>) target(%dma_start3A_33 : memref<16x768xf32, #tpu.memory_space<vmem>>) offsets(%dma_start3A_35 : memref<16xi32, #tpu.memory_space<vmem>>) semaphore(%dma_start3A_40 : memref<!tpu.dma_semaphore, #tpu.memory_space<semaphore_mem>>)
    %dma_start3A_41 = arith.constant 3 : i32
    %dma_start3A_42 = arith.constant 3 : i32
    %dma_start3A_43 = arith.constant 0 : i32
    %dma_start3A_44 = arith.constant 0 : i32
    %dma_start3A_45 = tpu.memref_slice %arg6[%dma_start3A_41, %dma_start3A_43, %dma_start3A_44] : memref<8x16x768xf32, #tpu.memory_space<vmem>> -> memref<1x16x768xf32, #tpu.memory_space<vmem>>
    %dma_start3A_46 = tpu.memref_squeeze %dma_start3A_45 : memref<1x16x768xf32, #tpu.memory_space<vmem>> -> memref<16x768xf32, #tpu.memory_space<vmem>>
    %dma_start3A_47 = arith.constant 48 : i32
    %dma_start3A_48 = tpu.memref_slice %arg5[%dma_start3A_47] : memref<1024xi32, #tpu.memory_space<vmem>> -> memref<16xi32, #tpu.memory_space<vmem>>
    %dma_start3A_49 = arith.constant 0 : i32
    %dma_start3A_50 = arith.constant 0 : i32
    %dma_start3A_51 = tpu.memref_slice %arg3[%dma_start3A_49, %dma_start3A_50] : memref<8192x768xf32, #tpu.memory_space<hbm>> -> memref<8192x768xf32, #tpu.memory_space<hbm>>
    %dma_start3A_52 = tpu.memref_slice %arg7[%dma_start3A_42] : memref<8x!tpu.dma_semaphore, #tpu.memory_space<semaphore_mem>> -> memref<1x!tpu.dma_semaphore, #tpu.memory_space<semaphore_mem>>
    %dma_start3A_53 = tpu.memref_squeeze %dma_start3A_52 : memref<1x!tpu.dma_semaphore, #tpu.memory_space<semaphore_mem>> -> memref<!tpu.dma_semaphore, #tpu.memory_space<semaphore_mem>>
    tpu.enqueue_indirect_dma source(%dma_start3A_51 : memref<8192x768xf32, #tpu.memory_space<hbm>>) target(%dma_start3A_46 : memref<16x768xf32, #tpu.memory_space<vmem>>) offsets(%dma_start3A_48 : memref<16xi32, #tpu.memory_space<vmem>>) semaphore(%dma_start3A_53 : memref<!tpu.dma_semaphore, #tpu.memory_space<semaphore_mem>>)
    %dma_start3A_54 = arith.constant 4 : i32
    %dma_start3A_55 = arith.constant 4 : i32
    %dma_start3A_56 = arith.constant 0 : i32
    %dma_start3A_57 = arith.constant 0 : i32
    %dma_start3A_58 = tpu.memref_slice %arg6[%dma_start3A_54, %dma_start3A_56, %dma_start3A_57] : memref<8x16x768xf32, #tpu.memory_space<vmem>> -> memref<1x16x768xf32, #tpu.memory_space<vmem>>
    %dma_start3A_59 = tpu.memref_squeeze %dma_start3A_58 : memref<1x16x768xf32, #tpu.memory_space<vmem>> -> memref<16x768xf32, #tpu.memory_space<vmem>>
    %dma_start3A_60 = arith.constant 64 : i32
    %dma_start3A_61 = tpu.memref_slice %arg5[%dma_start3A_60] : memref<1024xi32, #tpu.memory_space<vmem>> -> memref<16xi32, #tpu.memory_space<vmem>>
    %dma_start3A_62 = arith.constant 0 : i32
    %dma_start3A_63 = arith.constant 0 : i32
    %dma_start3A_64 = tpu.memref_slice %arg3[%dma_start3A_62, %dma_start3A_63] : memref<8192x768xf32, #tpu.memory_space<hbm>> -> memref<8192x768xf32, #tpu.memory_space<hbm>>
    %dma_start3A_65 = tpu.memref_slice %arg7[%dma_start3A_55] : memref<8x!tpu.dma_semaphore, #tpu.memory_space<semaphore_mem>> -> memref<1x!tpu.dma_semaphore, #tpu.memory_space<semaphore_mem>>
    %dma_start3A_66 = tpu.memref_squeeze %dma_start3A_65 : memref<1x!tpu.dma_semaphore, #tpu.memory_space<semaphore_mem>> -> memref<!tpu.dma_semaphore, #tpu.memory_space<semaphore_mem>>
    tpu.enqueue_indirect_dma source(%dma_start3A_64 : memref<8192x768xf32, #tpu.memory_space<hbm>>) target(%dma_start3A_59 : memref<16x768xf32, #tpu.memory_space<vmem>>) offsets(%dma_start3A_61 : memref<16xi32, #tpu.memory_space<vmem>>) semaphore(%dma_start3A_66 : memref<!tpu.dma_semaphore, #tpu.memory_space<semaphore_mem>>)
    %dma_start3A_67 = arith.constant 5 : i32
    %dma_start3A_68 = arith.constant 5 : i32
    %dma_start3A_69 = arith.constant 0 : i32
    %dma_start3A_70 = arith.constant 0 : i32
    %dma_start3A_71 = tpu.memref_slice %arg6[%dma_start3A_67, %dma_start3A_69, %dma_start3A_70] : memref<8x16x768xf32, #tpu.memory_space<vmem>> -> memref<1x16x768xf32, #tpu.memory_space<vmem>>
    %dma_start3A_72 = tpu.memref_squeeze %dma_start3A_71 : memref<1x16x768xf32, #tpu.memory_space<vmem>> -> memref<16x768xf32, #tpu.memory_space<vmem>>
    %dma_start3A_73 = arith.constant 80 : i32
    %dma_start3A_74 = tpu.memref_slice %arg5[%dma_start3A_73] : memref<1024xi32, #tpu.memory_space<vmem>> -> memref<16xi32, #tpu.memory_space<vmem>>
    %dma_start3A_75 = arith.constant 0 : i32
    %dma_start3A_76 = arith.constant 0 : i32
    %dma_start3A_77 = tpu.memref_slice %arg3[%dma_start3A_75, %dma_start3A_76] : memref<8192x768xf32, #tpu.memory_space<hbm>> -> memref<8192x768xf32, #tpu.memory_space<hbm>>
    %dma_start3A_78 = tpu.memref_slice %arg7[%dma_start3A_68] : memref<8x!tpu.dma_semaphore, #tpu.memory_space<semaphore_mem>> -> memref<1x!tpu.dma_semaphore, #tpu.memory_space<semaphore_mem>>
    %dma_start3A_79 = tpu.memref_squeeze %dma_start3A_78 : memref<1x!tpu.dma_semaphore, #tpu.memory_space<semaphore_mem>> -> memref<!tpu.dma_semaphore, #tpu.memory_space<semaphore_mem>>
    tpu.enqueue_indirect_dma source(%dma_start3A_77 : memref<8192x768xf32, #tpu.memory_space<hbm>>) target(%dma_start3A_72 : memref<16x768xf32, #tpu.memory_space<vmem>>) offsets(%dma_start3A_74 : memref<16xi32, #tpu.memory_space<vmem>>) semaphore(%dma_start3A_79 : memref<!tpu.dma_semaphore, #tpu.memory_space<semaphore_mem>>)
    %dma_start3A_80 = arith.constant 6 : i32
    %dma_start3A_81 = arith.constant 6 : i32
    %dma_start3A_82 = arith.constant 0 : i32
    %dma_start3A_83 = arith.constant 0 : i32
    %dma_start3A_84 = tpu.memref_slice %arg6[%dma_start3A_80, %dma_start3A_82, %dma_start3A_83] : memref<8x16x768xf32, #tpu.memory_space<vmem>> -> memref<1x16x768xf32, #tpu.memory_space<vmem>>
    %dma_start3A_85 = tpu.memref_squeeze %dma_start3A_84 : memref<1x16x768xf32, #tpu.memory_space<vmem>> -> memref<16x768xf32, #tpu.memory_space<vmem>>
    %dma_start3A_86 = arith.constant 96 : i32
    %dma_start3A_87 = tpu.memref_slice %arg5[%dma_start3A_86] : memref<1024xi32, #tpu.memory_space<vmem>> -> memref<16xi32, #tpu.memory_space<vmem>>
    %dma_start3A_88 = arith.constant 0 : i32
    %dma_start3A_89 = arith.constant 0 : i32
    %dma_start3A_90 = tpu.memref_slice %arg3[%dma_start3A_88, %dma_start3A_89] : memref<8192x768xf32, #tpu.memory_space<hbm>> -> memref<8192x768xf32, #tpu.memory_space<hbm>>
    %dma_start3A_91 = tpu.memref_slice %arg7[%dma_start3A_81] : memref<8x!tpu.dma_semaphore, #tpu.memory_space<semaphore_mem>> -> memref<1x!tpu.dma_semaphore, #tpu.memory_space<semaphore_mem>>
    %dma_start3A_92 = tpu.memref_squeeze %dma_start3A_91 : memref<1x!tpu.dma_semaphore, #tpu.memory_space<semaphore_mem>> -> memref<!tpu.dma_semaphore, #tpu.memory_space<semaphore_mem>>
    tpu.enqueue_indirect_dma source(%dma_start3A_90 : memref<8192x768xf32, #tpu.memory_space<hbm>>) target(%dma_start3A_85 : memref<16x768xf32, #tpu.memory_space<vmem>>) offsets(%dma_start3A_87 : memref<16xi32, #tpu.memory_space<vmem>>) semaphore(%dma_start3A_92 : memref<!tpu.dma_semaphore, #tpu.memory_space<semaphore_mem>>)
    %scan3A = arith.constant 0 : i32
    %scan3A_93 = arith.constant 0 : i32
    %scan3A_94 = arith.constant 64 : i32
    %scan3A_95 = arith.addi %scan3A_93, %scan3A_94 : i32
    %scan3A_96 = arith.constant 1 : i32
    scf.for %scan3A_241 = %scan3A_93 to %scan3A_95 step %scan3A_96  : i32 {
      %jit3A = arith.constant 8 : i32
      %eq3A = arith.constant 0 : i32
      %eq3A_242 = arith.cmpi eq, %jit3A, %eq3A : i32
      %jit3A_243 = arith.constant 1 : i32
      %select_n3A = arith.select %eq3A_242, %jit3A_243, %jit3A : i32
      %rem3A = arith.remsi %scan3A_241, %select_n3A : i32
      %ne3A = arith.constant 0 : i32
      %ne3A_244 = arith.cmpi ne, %rem3A, %ne3A : i32
      %lt3A = arith.constant 0 : i32
      %lt3A_245 = arith.cmpi slt, %rem3A, %lt3A : i32
      %lt3A_246 = arith.constant 0 : i32
      %lt3A_247 = arith.cmpi slt, %select_n3A, %lt3A_246 : i32
      %ne3A_248 = arith.xori %lt3A_245, %lt3A_247 : i1
      %and3A = arith.andi %ne3A_248, %ne3A_244 : i1
      %add3A_249 = arith.addi %rem3A, %select_n3A : i32
      %select_n3A_250 = arith.select %and3A, %add3A_249, %rem3A : i32
      %mul3A_251 = arith.constant 16 : i32
      %mul3A_252 = arith.muli %scan3A_241, %mul3A_251 : i32
      %dma_wait3A_253 = arith.constant 0 : i32
      %dma_wait3A_254 = arith.constant 0 : i32
      %dma_wait3A_255 = tpu.memref_slice %arg6[%select_n3A_250, %dma_wait3A_253, %dma_wait3A_254] : memref<8x16x768xf32, #tpu.memory_space<vmem>> -> memref<1x16x768xf32, #tpu.memory_space<vmem>>
      %dma_wait3A_256 = tpu.memref_squeeze %dma_wait3A_255 : memref<1x16x768xf32, #tpu.memory_space<vmem>> -> memref<16x768xf32, #tpu.memory_space<vmem>>
      %dma_wait3A_257 = tpu.memref_slice %arg5[%mul3A_252] : memref<1024xi32, #tpu.memory_space<vmem>> -> memref<16xi32, #tpu.memory_space<vmem>>
      %dma_wait3A_258 = arith.constant 0 : i32
      %dma_wait3A_259 = arith.constant 0 : i32
      %dma_wait3A_260 = tpu.memref_slice %arg3[%dma_wait3A_258, %dma_wait3A_259] : memref<8192x768xf32, #tpu.memory_space<hbm>> -> memref<8192x768xf32, #tpu.memory_space<hbm>>
      %dma_wait3A_261 = tpu.memref_slice %arg7[%select_n3A_250] : memref<8x!tpu.dma_semaphore, #tpu.memory_space<semaphore_mem>> -> memref<1x!tpu.dma_semaphore, #tpu.memory_space<semaphore_mem>>
      %dma_wait3A_262 = tpu.memref_squeeze %dma_wait3A_261 : memref<1x!tpu.dma_semaphore, #tpu.memory_space<semaphore_mem>> -> memref<!tpu.dma_semaphore, #tpu.memory_space<semaphore_mem>>
      tpu.wait_indirect_dma semaphore(%dma_wait3A_262 : memref<!tpu.dma_semaphore, #tpu.memory_space<semaphore_mem>>) src(%dma_wait3A_260 : memref<8192x768xf32, #tpu.memory_space<hbm>>) dst(%dma_wait3A_256 : memref<16x768xf32, #tpu.memory_space<vmem>>)
      %jit3A_263 = arith.constant 8 : i32
      %eq3A_264 = arith.constant 0 : i32
      %eq3A_265 = arith.cmpi eq, %jit3A_263, %eq3A_264 : i32
      %jit3A_266 = arith.constant 1 : i32
      %select_n3A_267 = arith.select %eq3A_265, %jit3A_266, %jit3A_263 : i32
      %rem3A_268 = arith.remsi %scan3A_241, %select_n3A_267 : i32
      %ne3A_269 = arith.constant 0 : i32
      %ne3A_270 = arith.cmpi ne, %rem3A_268, %ne3A_269 : i32
      %lt3A_271 = arith.constant 0 : i32
      %lt3A_272 = arith.cmpi slt, %rem3A_268, %lt3A_271 : i32
      %lt3A_273 = arith.constant 0 : i32
      %lt3A_274 = arith.cmpi slt, %select_n3A_267, %lt3A_273 : i32
      %ne3A_275 = arith.xori %lt3A_272, %lt3A_274 : i1
      %and3A_276 = arith.andi %ne3A_275, %ne3A_270 : i1
      %add3A_277 = arith.addi %rem3A_268, %select_n3A_267 : i32
      %select_n3A_278 = arith.select %and3A_276, %add3A_277, %rem3A_268 : i32
      %mul3A_279 = arith.constant 16 : i32
      %mul3A_280 = arith.muli %scan3A_241, %mul3A_279 : i32
      %add3A_281 = arith.addi %mul3A_2, %mul3A_280 : i32
      %dma_start3A_282 = arith.constant 0 : i32
      %dma_start3A_283 = arith.constant 0 : i32
      %dma_start3A_284 = tpu.memref_slice %arg6[%select_n3A_278, %dma_start3A_282, %dma_start3A_283] : memref<8x16x768xf32, #tpu.memory_space<vmem>> -> memref<1x16x768xf32, #tpu.memory_space<vmem>>
      %dma_start3A_285 = tpu.memref_squeeze %dma_start3A_284 : memref<1x16x768xf32, #tpu.memory_space<vmem>> -> memref<16x768xf32, #tpu.memory_space<vmem>>
      %dma_start3A_286 = arith.constant 0 : i32
      %dma_start3A_287 = tpu.memref_slice %arg4[%add3A_281, %dma_start3A_286] : memref<32768x768xf32, #tpu.memory_space<hbm>> -> memref<16x768xf32, #tpu.memory_space<hbm>>
      %dma_start3A_288 = tpu.memref_slice %arg8[%select_n3A_278] : memref<8x!tpu.dma_semaphore, #tpu.memory_space<semaphore_mem>> -> memref<1x!tpu.dma_semaphore, #tpu.memory_space<semaphore_mem>>
      %dma_start3A_289 = tpu.memref_squeeze %dma_start3A_288 : memref<1x!tpu.dma_semaphore, #tpu.memory_space<semaphore_mem>> -> memref<!tpu.dma_semaphore, #tpu.memory_space<semaphore_mem>>
      %dma_start3A_290 = arith.constant 0 : i32
      %dma_start3A_291 = tpu.memref_slice %arg4[%add3A_281, %dma_start3A_290] : memref<32768x768xf32, #tpu.memory_space<hbm>> -> memref<16x768xf32, #tpu.memory_space<hbm>>
      %dma_start3A_292 = arith.constant 0 : i32
      %dma_start3A_293 = arith.constant 0 : i32
      %dma_start3A_294 = tpu.memref_slice %arg6[%select_n3A_278, %dma_start3A_292, %dma_start3A_293] : memref<8x16x768xf32, #tpu.memory_space<vmem>> -> memref<1x16x768xf32, #tpu.memory_space<vmem>>
      %dma_start3A_295 = tpu.memref_squeeze %dma_start3A_294 : memref<1x16x768xf32, #tpu.memory_space<vmem>> -> memref<16x768xf32, #tpu.memory_space<vmem>>
      tpu.enqueue_dma source(%dma_start3A_295 : memref<16x768xf32, #tpu.memory_space<vmem>>) target(%dma_start3A_291 : memref<16x768xf32, #tpu.memory_space<hbm>>) target_semaphore(%dma_start3A_289 : memref<!tpu.dma_semaphore, #tpu.memory_space<semaphore_mem>>)
      %add3A_296 = arith.constant 8 : i32
      %add3A_297 = arith.addi %scan3A_241, %add3A_296 : i32
      %sub3A = arith.constant 1 : i32
      %sub3A_298 = arith.subi %add3A_297, %sub3A : i32
      %ge3A = arith.constant 1 : i32
      %ge3A_299 = arith.cmpi sge, %scan3A_241, %ge3A : i32
      %lt3A_300 = arith.constant 64 : i32
      %lt3A_301 = arith.cmpi slt, %sub3A_298, %lt3A_300 : i32
      %and3A_302 = arith.andi %ge3A_299, %lt3A_301 : i1
      %convert_element_type3A = arith.extui %and3A_302 : i1 to i32
      %cond3A = arith.constant 0 : i32
      %cond3A_303 = arith.cmpi ne, %convert_element_type3A, %cond3A : i32
      scf.if %cond3A_303 {
        %sub3A_309 = arith.constant 8 : i32
        %sub3A_310 = arith.subi %sub3A_298, %sub3A_309 : i32
        %jit3A_311 = arith.constant 8 : i32
        %eq3A_312 = arith.constant 0 : i32
        %eq3A_313 = arith.cmpi eq, %jit3A_311, %eq3A_312 : i32
        %jit3A_314 = arith.constant 1 : i32
        %select_n3A_315 = arith.select %eq3A_313, %jit3A_314, %jit3A_311 : i32
        %rem3A_316 = arith.remsi %sub3A_310, %select_n3A_315 : i32
        %ne3A_317 = arith.constant 0 : i32
        %ne3A_318 = arith.cmpi ne, %rem3A_316, %ne3A_317 : i32
        %lt3A_319 = arith.constant 0 : i32
        %lt3A_320 = arith.cmpi slt, %rem3A_316, %lt3A_319 : i32
        %lt3A_321 = arith.constant 0 : i32
        %lt3A_322 = arith.cmpi slt, %select_n3A_315, %lt3A_321 : i32
        %ne3A_323 = arith.xori %lt3A_320, %lt3A_322 : i1
        %and3A_324 = arith.andi %ne3A_323, %ne3A_318 : i1
        %add3A_325 = arith.addi %rem3A_316, %select_n3A_315 : i32
        %select_n3A_326 = arith.select %and3A_324, %add3A_325, %rem3A_316 : i32
        %mul3A_327 = arith.constant 16 : i32
        %mul3A_328 = arith.muli %sub3A_310, %mul3A_327 : i32
        %add3A_329 = arith.addi %mul3A_2, %mul3A_328 : i32
        %dma_wait3A_330 = arith.constant 0 : i32
        %dma_wait3A_331 = arith.constant 0 : i32
        %dma_wait3A_332 = tpu.memref_slice %arg6[%select_n3A_326, %dma_wait3A_330, %dma_wait3A_331] : memref<8x16x768xf32, #tpu.memory_space<vmem>> -> memref<1x16x768xf32, #tpu.memory_space<vmem>>
        %dma_wait3A_333 = tpu.memref_squeeze %dma_wait3A_332 : memref<1x16x768xf32, #tpu.memory_space<vmem>> -> memref<16x768xf32, #tpu.memory_space<vmem>>
        %dma_wait3A_334 = arith.constant 0 : i32
        %dma_wait3A_335 = tpu.memref_slice %arg4[%add3A_329, %dma_wait3A_334] : memref<32768x768xf32, #tpu.memory_space<hbm>> -> memref<16x768xf32, #tpu.memory_space<hbm>>
        %dma_wait3A_336 = tpu.memref_slice %arg8[%select_n3A_326] : memref<8x!tpu.dma_semaphore, #tpu.memory_space<semaphore_mem>> -> memref<1x!tpu.dma_semaphore, #tpu.memory_space<semaphore_mem>>
        %dma_wait3A_337 = tpu.memref_squeeze %dma_wait3A_336 : memref<1x!tpu.dma_semaphore, #tpu.memory_space<semaphore_mem>> -> memref<!tpu.dma_semaphore, #tpu.memory_space<semaphore_mem>>
        %dma_wait3A_338 = arith.constant 0 : i32
        %dma_wait3A_339 = tpu.memref_slice %arg4[%add3A_329, %dma_wait3A_338] : memref<32768x768xf32, #tpu.memory_space<hbm>> -> memref<16x768xf32, #tpu.memory_space<hbm>>
        %dma_wait3A_340 = arith.constant 0 : i32
        %dma_wait3A_341 = arith.constant 0 : i32
        %dma_wait3A_342 = tpu.memref_slice %arg6[%select_n3A_326, %dma_wait3A_340, %dma_wait3A_341] : memref<8x16x768xf32, #tpu.memory_space<vmem>> -> memref<1x16x768xf32, #tpu.memory_space<vmem>>
        %dma_wait3A_343 = tpu.memref_squeeze %dma_wait3A_342 : memref<1x16x768xf32, #tpu.memory_space<vmem>> -> memref<16x768xf32, #tpu.memory_space<vmem>>
        tpu.wait_dma2 semaphore(%dma_wait3A_337 : memref<!tpu.dma_semaphore, #tpu.memory_space<semaphore_mem>>) src(%dma_wait3A_343 : memref<16x768xf32, #tpu.memory_space<vmem>>) dst(%dma_wait3A_339 : memref<16x768xf32, #tpu.memory_space<hbm>>)
      } else {
      }
      %lt3A_304 = arith.constant 64 : i32
      %lt3A_305 = arith.cmpi slt, %sub3A_298, %lt3A_304 : i32
      %convert_element_type3A_306 = arith.extui %lt3A_305 : i1 to i32
      %cond3A_307 = arith.constant 0 : i32
      %cond3A_308 = arith.cmpi ne, %convert_element_type3A_306, %cond3A_307 : i32
      scf.if %cond3A_308 {
        %jit3A_309 = arith.constant 8 : i32
        %eq3A_310 = arith.constant 0 : i32
        %eq3A_311 = arith.cmpi eq, %jit3A_309, %eq3A_310 : i32
        %jit3A_312 = arith.constant 1 : i32
        %select_n3A_313 = arith.select %eq3A_311, %jit3A_312, %jit3A_309 : i32
        %rem3A_314 = arith.remsi %sub3A_298, %select_n3A_313 : i32
        %ne3A_315 = arith.constant 0 : i32
        %ne3A_316 = arith.cmpi ne, %rem3A_314, %ne3A_315 : i32
        %lt3A_317 = arith.constant 0 : i32
        %lt3A_318 = arith.cmpi slt, %rem3A_314, %lt3A_317 : i32
        %lt3A_319 = arith.constant 0 : i32
        %lt3A_320 = arith.cmpi slt, %select_n3A_313, %lt3A_319 : i32
        %ne3A_321 = arith.xori %lt3A_318, %lt3A_320 : i1
        %and3A_322 = arith.andi %ne3A_321, %ne3A_316 : i1
        %add3A_323 = arith.addi %rem3A_314, %select_n3A_313 : i32
        %select_n3A_324 = arith.select %and3A_322, %add3A_323, %rem3A_314 : i32
        %mul3A_325 = arith.constant 16 : i32
        %mul3A_326 = arith.muli %sub3A_298, %mul3A_325 : i32
        %dma_start3A_327 = arith.constant 0 : i32
        %dma_start3A_328 = arith.constant 0 : i32
        %dma_start3A_329 = tpu.memref_slice %arg6[%select_n3A_324, %dma_start3A_327, %dma_start3A_328] : memref<8x16x768xf32, #tpu.memory_space<vmem>> -> memref<1x16x768xf32, #tpu.memory_space<vmem>>
        %dma_start3A_330 = tpu.memref_squeeze %dma_start3A_329 : memref<1x16x768xf32, #tpu.memory_space<vmem>> -> memref<16x768xf32, #tpu.memory_space<vmem>>
        %dma_start3A_331 = tpu.memref_slice %arg5[%mul3A_326] : memref<1024xi32, #tpu.memory_space<vmem>> -> memref<16xi32, #tpu.memory_space<vmem>>
        %dma_start3A_332 = arith.constant 0 : i32
        %dma_start3A_333 = arith.constant 0 : i32
        %dma_start3A_334 = tpu.memref_slice %arg3[%dma_start3A_332, %dma_start3A_333] : memref<8192x768xf32, #tpu.memory_space<hbm>> -> memref<8192x768xf32, #tpu.memory_space<hbm>>
        %dma_start3A_335 = tpu.memref_slice %arg7[%select_n3A_324] : memref<8x!tpu.dma_semaphore, #tpu.memory_space<semaphore_mem>> -> memref<1x!tpu.dma_semaphore, #tpu.memory_space<semaphore_mem>>
        %dma_start3A_336 = tpu.memref_squeeze %dma_start3A_335 : memref<1x!tpu.dma_semaphore, #tpu.memory_space<semaphore_mem>> -> memref<!tpu.dma_semaphore, #tpu.memory_space<semaphore_mem>>
        tpu.enqueue_indirect_dma source(%dma_start3A_334 : memref<8192x768xf32, #tpu.memory_space<hbm>>) target(%dma_start3A_330 : memref<16x768xf32, #tpu.memory_space<vmem>>) offsets(%dma_start3A_331 : memref<16xi32, #tpu.memory_space<vmem>>) semaphore(%dma_start3A_336 : memref<!tpu.dma_semaphore, #tpu.memory_space<semaphore_mem>>)
      } else {
      }
    }
    %scan3A_97 = arith.constant 64 : i32
    %add3A_98 = arith.constant 896 : i32
    %add3A_99 = arith.addi %mul3A_2, %add3A_98 : i32
    %dma_wait3A = arith.constant 0 : i32
    %dma_wait3A_100 = arith.constant 0 : i32
    %dma_wait3A_101 = arith.constant 0 : i32
    %dma_wait3A_102 = arith.constant 0 : i32
    %dma_wait3A_103 = tpu.memref_slice %arg6[%dma_wait3A, %dma_wait3A_101, %dma_wait3A_102] : memref<8x16x768xf32, #tpu.memory_space<vmem>> -> memref<1x16x768xf32, #tpu.memory_space<vmem>>
    %dma_wait3A_104 = tpu.memref_squeeze %dma_wait3A_103 : memref<1x16x768xf32, #tpu.memory_space<vmem>> -> memref<16x768xf32, #tpu.memory_space<vmem>>
    %dma_wait3A_105 = arith.constant 0 : i32
    %dma_wait3A_106 = tpu.memref_slice %arg4[%add3A_99, %dma_wait3A_105] : memref<32768x768xf32, #tpu.memory_space<hbm>> -> memref<16x768xf32, #tpu.memory_space<hbm>>
    %dma_wait3A_107 = tpu.memref_slice %arg8[%dma_wait3A_100] : memref<8x!tpu.dma_semaphore, #tpu.memory_space<semaphore_mem>> -> memref<1x!tpu.dma_semaphore, #tpu.memory_space<semaphore_mem>>
    %dma_wait3A_108 = tpu.memref_squeeze %dma_wait3A_107 : memref<1x!tpu.dma_semaphore, #tpu.memory_space<semaphore_mem>> -> memref<!tpu.dma_semaphore, #tpu.memory_space<semaphore_mem>>
    %dma_wait3A_109 = arith.constant 0 : i32
    %dma_wait3A_110 = tpu.memref_slice %arg4[%add3A_99, %dma_wait3A_109] : memref<32768x768xf32, #tpu.memory_space<hbm>> -> memref<16x768xf32, #tpu.memory_space<hbm>>
    %dma_wait3A_111 = arith.constant 0 : i32
    %dma_wait3A_112 = arith.constant 0 : i32
    %dma_wait3A_113 = tpu.memref_slice %arg6[%dma_wait3A, %dma_wait3A_111, %dma_wait3A_112] : memref<8x16x768xf32, #tpu.memory_space<vmem>> -> memref<1x16x768xf32, #tpu.memory_space<vmem>>
    %dma_wait3A_114 = tpu.memref_squeeze %dma_wait3A_113 : memref<1x16x768xf32, #tpu.memory_space<vmem>> -> memref<16x768xf32, #tpu.memory_space<vmem>>
    tpu.wait_dma2 semaphore(%dma_wait3A_108 : memref<!tpu.dma_semaphore, #tpu.memory_space<semaphore_mem>>) src(%dma_wait3A_114 : memref<16x768xf32, #tpu.memory_space<vmem>>) dst(%dma_wait3A_110 : memref<16x768xf32, #tpu.memory_space<hbm>>)
    %add3A_115 = arith.constant 912 : i32
    %add3A_116 = arith.addi %mul3A_2, %add3A_115 : i32
    %dma_wait3A_117 = arith.constant 1 : i32
    %dma_wait3A_118 = arith.constant 1 : i32
    %dma_wait3A_119 = arith.constant 0 : i32
    %dma_wait3A_120 = arith.constant 0 : i32
    %dma_wait3A_121 = tpu.memref_slice %arg6[%dma_wait3A_117, %dma_wait3A_119, %dma_wait3A_120] : memref<8x16x768xf32, #tpu.memory_space<vmem>> -> memref<1x16x768xf32, #tpu.memory_space<vmem>>
    %dma_wait3A_122 = tpu.memref_squeeze %dma_wait3A_121 : memref<1x16x768xf32, #tpu.memory_space<vmem>> -> memref<16x768xf32, #tpu.memory_space<vmem>>
    %dma_wait3A_123 = arith.constant 0 : i32
    %dma_wait3A_124 = tpu.memref_slice %arg4[%add3A_116, %dma_wait3A_123] : memref<32768x768xf32, #tpu.memory_space<hbm>> -> memref<16x768xf32, #tpu.memory_space<hbm>>
    %dma_wait3A_125 = tpu.memref_slice %arg8[%dma_wait3A_118] : memref<8x!tpu.dma_semaphore, #tpu.memory_space<semaphore_mem>> -> memref<1x!tpu.dma_semaphore, #tpu.memory_space<semaphore_mem>>
    %dma_wait3A_126 = tpu.memref_squeeze %dma_wait3A_125 : memref<1x!tpu.dma_semaphore, #tpu.memory_space<semaphore_mem>> -> memref<!tpu.dma_semaphore, #tpu.memory_space<semaphore_mem>>
    %dma_wait3A_127 = arith.constant 0 : i32
    %dma_wait3A_128 = tpu.memref_slice %arg4[%add3A_116, %dma_wait3A_127] : memref<32768x768xf32, #tpu.memory_space<hbm>> -> memref<16x768xf32, #tpu.memory_space<hbm>>
    %dma_wait3A_129 = arith.constant 0 : i32
    %dma_wait3A_130 = arith.constant 0 : i32
    %dma_wait3A_131 = tpu.memref_slice %arg6[%dma_wait3A_117, %dma_wait3A_129, %dma_wait3A_130] : memref<8x16x768xf32, #tpu.memory_space<vmem>> -> memref<1x16x768xf32, #tpu.memory_space<vmem>>
    %dma_wait3A_132 = tpu.memref_squeeze %dma_wait3A_131 : memref<1x16x768xf32, #tpu.memory_space<vmem>> -> memref<16x768xf32, #tpu.memory_space<vmem>>
    tpu.wait_dma2 semaphore(%dma_wait3A_126 : memref<!tpu.dma_semaphore, #tpu.memory_space<semaphore_mem>>) src(%dma_wait3A_132 : memref<16x768xf32, #tpu.memory_space<vmem>>) dst(%dma_wait3A_128 : memref<16x768xf32, #tpu.memory_space<hbm>>)
    %add3A_133 = arith.constant 928 : i32
    %add3A_134 = arith.addi %mul3A_2, %add3A_133 : i32
    %dma_wait3A_135 = arith.constant 2 : i32
    %dma_wait3A_136 = arith.constant 2 : i32
    %dma_wait3A_137 = arith.constant 0 : i32
    %dma_wait3A_138 = arith.constant 0 : i32
    %dma_wait3A_139 = tpu.memref_slice %arg6[%dma_wait3A_135, %dma_wait3A_137, %dma_wait3A_138] : memref<8x16x768xf32, #tpu.memory_space<vmem>> -> memref<1x16x768xf32, #tpu.memory_space<vmem>>
    %dma_wait3A_140 = tpu.memref_squeeze %dma_wait3A_139 : memref<1x16x768xf32, #tpu.memory_space<vmem>> -> memref<16x768xf32, #tpu.memory_space<vmem>>
    %dma_wait3A_141 = arith.constant 0 : i32
    %dma_wait3A_142 = tpu.memref_slice %arg4[%add3A_134, %dma_wait3A_141] : memref<32768x768xf32, #tpu.memory_space<hbm>> -> memref<16x768xf32, #tpu.memory_space<hbm>>
    %dma_wait3A_143 = tpu.memref_slice %arg8[%dma_wait3A_136] : memref<8x!tpu.dma_semaphore, #tpu.memory_space<semaphore_mem>> -> memref<1x!tpu.dma_semaphore, #tpu.memory_space<semaphore_mem>>
    %dma_wait3A_144 = tpu.memref_squeeze %dma_wait3A_143 : memref<1x!tpu.dma_semaphore, #tpu.memory_space<semaphore_mem>> -> memref<!tpu.dma_semaphore, #tpu.memory_space<semaphore_mem>>
    %dma_wait3A_145 = arith.constant 0 : i32
    %dma_wait3A_146 = tpu.memref_slice %arg4[%add3A_134, %dma_wait3A_145] : memref<32768x768xf32, #tpu.memory_space<hbm>> -> memref<16x768xf32, #tpu.memory_space<hbm>>
    %dma_wait3A_147 = arith.constant 0 : i32
    %dma_wait3A_148 = arith.constant 0 : i32
    %dma_wait3A_149 = tpu.memref_slice %arg6[%dma_wait3A_135, %dma_wait3A_147, %dma_wait3A_148] : memref<8x16x768xf32, #tpu.memory_space<vmem>> -> memref<1x16x768xf32, #tpu.memory_space<vmem>>
    %dma_wait3A_150 = tpu.memref_squeeze %dma_wait3A_149 : memref<1x16x768xf32, #tpu.memory_space<vmem>> -> memref<16x768xf32, #tpu.memory_space<vmem>>
    tpu.wait_dma2 semaphore(%dma_wait3A_144 : memref<!tpu.dma_semaphore, #tpu.memory_space<semaphore_mem>>) src(%dma_wait3A_150 : memref<16x768xf32, #tpu.memory_space<vmem>>) dst(%dma_wait3A_146 : memref<16x768xf32, #tpu.memory_space<hbm>>)
    %add3A_151 = arith.constant 944 : i32
    %add3A_152 = arith.addi %mul3A_2, %add3A_151 : i32
    %dma_wait3A_153 = arith.constant 3 : i32
    %dma_wait3A_154 = arith.constant 3 : i32
    %dma_wait3A_155 = arith.constant 0 : i32
    %dma_wait3A_156 = arith.constant 0 : i32
    %dma_wait3A_157 = tpu.memref_slice %arg6[%dma_wait3A_153, %dma_wait3A_155, %dma_wait3A_156] : memref<8x16x768xf32, #tpu.memory_space<vmem>> -> memref<1x16x768xf32, #tpu.memory_space<vmem>>
    %dma_wait3A_158 = tpu.memref_squeeze %dma_wait3A_157 : memref<1x16x768xf32, #tpu.memory_space<vmem>> -> memref<16x768xf32, #tpu.memory_space<vmem>>
    %dma_wait3A_159 = arith.constant 0 : i32
    %dma_wait3A_160 = tpu.memref_slice %arg4[%add3A_152, %dma_wait3A_159] : memref<32768x768xf32, #tpu.memory_space<hbm>> -> memref<16x768xf32, #tpu.memory_space<hbm>>
    %dma_wait3A_161 = tpu.memref_slice %arg8[%dma_wait3A_154] : memref<8x!tpu.dma_semaphore, #tpu.memory_space<semaphore_mem>> -> memref<1x!tpu.dma_semaphore, #tpu.memory_space<semaphore_mem>>
    %dma_wait3A_162 = tpu.memref_squeeze %dma_wait3A_161 : memref<1x!tpu.dma_semaphore, #tpu.memory_space<semaphore_mem>> -> memref<!tpu.dma_semaphore, #tpu.memory_space<semaphore_mem>>
    %dma_wait3A_163 = arith.constant 0 : i32
    %dma_wait3A_164 = tpu.memref_slice %arg4[%add3A_152, %dma_wait3A_163] : memref<32768x768xf32, #tpu.memory_space<hbm>> -> memref<16x768xf32, #tpu.memory_space<hbm>>
    %dma_wait3A_165 = arith.constant 0 : i32
    %dma_wait3A_166 = arith.constant 0 : i32
    %dma_wait3A_167 = tpu.memref_slice %arg6[%dma_wait3A_153, %dma_wait3A_165, %dma_wait3A_166] : memref<8x16x768xf32, #tpu.memory_space<vmem>> -> memref<1x16x768xf32, #tpu.memory_space<vmem>>
    %dma_wait3A_168 = tpu.memref_squeeze %dma_wait3A_167 : memref<1x16x768xf32, #tpu.memory_space<vmem>> -> memref<16x768xf32, #tpu.memory_space<vmem>>
    tpu.wait_dma2 semaphore(%dma_wait3A_162 : memref<!tpu.dma_semaphore, #tpu.memory_space<semaphore_mem>>) src(%dma_wait3A_168 : memref<16x768xf32, #tpu.memory_space<vmem>>) dst(%dma_wait3A_164 : memref<16x768xf32, #tpu.memory_space<hbm>>)
    %add3A_169 = arith.constant 960 : i32
    %add3A_170 = arith.addi %mul3A_2, %add3A_169 : i32
    %dma_wait3A_171 = arith.constant 4 : i32
    %dma_wait3A_172 = arith.constant 4 : i32
    %dma_wait3A_173 = arith.constant 0 : i32
    %dma_wait3A_174 = arith.constant 0 : i32
    %dma_wait3A_175 = tpu.memref_slice %arg6[%dma_wait3A_171, %dma_wait3A_173, %dma_wait3A_174] : memref<8x16x768xf32, #tpu.memory_space<vmem>> -> memref<1x16x768xf32, #tpu.memory_space<vmem>>
    %dma_wait3A_176 = tpu.memref_squeeze %dma_wait3A_175 : memref<1x16x768xf32, #tpu.memory_space<vmem>> -> memref<16x768xf32, #tpu.memory_space<vmem>>
    %dma_wait3A_177 = arith.constant 0 : i32
    %dma_wait3A_178 = tpu.memref_slice %arg4[%add3A_170, %dma_wait3A_177] : memref<32768x768xf32, #tpu.memory_space<hbm>> -> memref<16x768xf32, #tpu.memory_space<hbm>>
    %dma_wait3A_179 = tpu.memref_slice %arg8[%dma_wait3A_172] : memref<8x!tpu.dma_semaphore, #tpu.memory_space<semaphore_mem>> -> memref<1x!tpu.dma_semaphore, #tpu.memory_space<semaphore_mem>>
    %dma_wait3A_180 = tpu.memref_squeeze %dma_wait3A_179 : memref<1x!tpu.dma_semaphore, #tpu.memory_space<semaphore_mem>> -> memref<!tpu.dma_semaphore, #tpu.memory_space<semaphore_mem>>
    %dma_wait3A_181 = arith.constant 0 : i32
    %dma_wait3A_182 = tpu.memref_slice %arg4[%add3A_170, %dma_wait3A_181] : memref<32768x768xf32, #tpu.memory_space<hbm>> -> memref<16x768xf32, #tpu.memory_space<hbm>>
    %dma_wait3A_183 = arith.constant 0 : i32
    %dma_wait3A_184 = arith.constant 0 : i32
    %dma_wait3A_185 = tpu.memref_slice %arg6[%dma_wait3A_171, %dma_wait3A_183, %dma_wait3A_184] : memref<8x16x768xf32, #tpu.memory_space<vmem>> -> memref<1x16x768xf32, #tpu.memory_space<vmem>>
    %dma_wait3A_186 = tpu.memref_squeeze %dma_wait3A_185 : memref<1x16x768xf32, #tpu.memory_space<vmem>> -> memref<16x768xf32, #tpu.memory_space<vmem>>
    tpu.wait_dma2 semaphore(%dma_wait3A_180 : memref<!tpu.dma_semaphore, #tpu.memory_space<semaphore_mem>>) src(%dma_wait3A_186 : memref<16x768xf32, #tpu.memory_space<vmem>>) dst(%dma_wait3A_182 : memref<16x768xf32, #tpu.memory_space<hbm>>)
    %add3A_187 = arith.constant 976 : i32
    %add3A_188 = arith.addi %mul3A_2, %add3A_187 : i32
    %dma_wait3A_189 = arith.constant 5 : i32
    %dma_wait3A_190 = arith.constant 5 : i32
    %dma_wait3A_191 = arith.constant 0 : i32
    %dma_wait3A_192 = arith.constant 0 : i32
    %dma_wait3A_193 = tpu.memref_slice %arg6[%dma_wait3A_189, %dma_wait3A_191, %dma_wait3A_192] : memref<8x16x768xf32, #tpu.memory_space<vmem>> -> memref<1x16x768xf32, #tpu.memory_space<vmem>>
    %dma_wait3A_194 = tpu.memref_squeeze %dma_wait3A_193 : memref<1x16x768xf32, #tpu.memory_space<vmem>> -> memref<16x768xf32, #tpu.memory_space<vmem>>
    %dma_wait3A_195 = arith.constant 0 : i32
    %dma_wait3A_196 = tpu.memref_slice %arg4[%add3A_188, %dma_wait3A_195] : memref<32768x768xf32, #tpu.memory_space<hbm>> -> memref<16x768xf32, #tpu.memory_space<hbm>>
    %dma_wait3A_197 = tpu.memref_slice %arg8[%dma_wait3A_190] : memref<8x!tpu.dma_semaphore, #tpu.memory_space<semaphore_mem>> -> memref<1x!tpu.dma_semaphore, #tpu.memory_space<semaphore_mem>>
    %dma_wait3A_198 = tpu.memref_squeeze %dma_wait3A_197 : memref<1x!tpu.dma_semaphore, #tpu.memory_space<semaphore_mem>> -> memref<!tpu.dma_semaphore, #tpu.memory_space<semaphore_mem>>
    %dma_wait3A_199 = arith.constant 0 : i32
    %dma_wait3A_200 = tpu.memref_slice %arg4[%add3A_188, %dma_wait3A_199] : memref<32768x768xf32, #tpu.memory_space<hbm>> -> memref<16x768xf32, #tpu.memory_space<hbm>>
    %dma_wait3A_201 = arith.constant 0 : i32
    %dma_wait3A_202 = arith.constant 0 : i32
    %dma_wait3A_203 = tpu.memref_slice %arg6[%dma_wait3A_189, %dma_wait3A_201, %dma_wait3A_202] : memref<8x16x768xf32, #tpu.memory_space<vmem>> -> memref<1x16x768xf32, #tpu.memory_space<vmem>>
    %dma_wait3A_204 = tpu.memref_squeeze %dma_wait3A_203 : memref<1x16x768xf32, #tpu.memory_space<vmem>> -> memref<16x768xf32, #tpu.memory_space<vmem>>
    tpu.wait_dma2 semaphore(%dma_wait3A_198 : memref<!tpu.dma_semaphore, #tpu.memory_space<semaphore_mem>>) src(%dma_wait3A_204 : memref<16x768xf32, #tpu.memory_space<vmem>>) dst(%dma_wait3A_200 : memref<16x768xf32, #tpu.memory_space<hbm>>)
    %add3A_205 = arith.constant 992 : i32
    %add3A_206 = arith.addi %mul3A_2, %add3A_205 : i32
    %dma_wait3A_207 = arith.constant 6 : i32
    %dma_wait3A_208 = arith.constant 6 : i32
    %dma_wait3A_209 = arith.constant 0 : i32
    %dma_wait3A_210 = arith.constant 0 : i32
    %dma_wait3A_211 = tpu.memref_slice %arg6[%dma_wait3A_207, %dma_wait3A_209, %dma_wait3A_210] : memref<8x16x768xf32, #tpu.memory_space<vmem>> -> memref<1x16x768xf32, #tpu.memory_space<vmem>>
    %dma_wait3A_212 = tpu.memref_squeeze %dma_wait3A_211 : memref<1x16x768xf32, #tpu.memory_space<vmem>> -> memref<16x768xf32, #tpu.memory_space<vmem>>
    %dma_wait3A_213 = arith.constant 0 : i32
    %dma_wait3A_214 = tpu.memref_slice %arg4[%add3A_206, %dma_wait3A_213] : memref<32768x768xf32, #tpu.memory_space<hbm>> -> memref<16x768xf32, #tpu.memory_space<hbm>>
    %dma_wait3A_215 = tpu.memref_slice %arg8[%dma_wait3A_208] : memref<8x!tpu.dma_semaphore, #tpu.memory_space<semaphore_mem>> -> memref<1x!tpu.dma_semaphore, #tpu.memory_space<semaphore_mem>>
    %dma_wait3A_216 = tpu.memref_squeeze %dma_wait3A_215 : memref<1x!tpu.dma_semaphore, #tpu.memory_space<semaphore_mem>> -> memref<!tpu.dma_semaphore, #tpu.memory_space<semaphore_mem>>
    %dma_wait3A_217 = arith.constant 0 : i32
    %dma_wait3A_218 = tpu.memref_slice %arg4[%add3A_206, %dma_wait3A_217] : memref<32768x768xf32, #tpu.memory_space<hbm>> -> memref<16x768xf32, #tpu.memory_space<hbm>>
    %dma_wait3A_219 = arith.constant 0 : i32
    %dma_wait3A_220 = arith.constant 0 : i32
    %dma_wait3A_221 = tpu.memref_slice %arg6[%dma_wait3A_207, %dma_wait3A_219, %dma_wait3A_220] : memref<8x16x768xf32, #tpu.memory_space<vmem>> -> memref<1x16x768xf32, #tpu.memory_space<vmem>>
    %dma_wait3A_222 = tpu.memref_squeeze %dma_wait3A_221 : memref<1x16x768xf32, #tpu.memory_space<vmem>> -> memref<16x768xf32, #tpu.memory_space<vmem>>
    tpu.wait_dma2 semaphore(%dma_wait3A_216 : memref<!tpu.dma_semaphore, #tpu.memory_space<semaphore_mem>>) src(%dma_wait3A_222 : memref<16x768xf32, #tpu.memory_space<vmem>>) dst(%dma_wait3A_218 : memref<16x768xf32, #tpu.memory_space<hbm>>)
    %add3A_223 = arith.constant 1008 : i32
    %add3A_224 = arith.addi %mul3A_2, %add3A_223 : i32
    %dma_wait3A_225 = arith.constant 7 : i32
    %dma_wait3A_226 = arith.constant 7 : i32
    %dma_wait3A_227 = arith.constant 0 : i32
    %dma_wait3A_228 = arith.constant 0 : i32
    %dma_wait3A_229 = tpu.memref_slice %arg6[%dma_wait3A_225, %dma_wait3A_227, %dma_wait3A_228] : memref<8x16x768xf32, #tpu.memory_space<vmem>> -> memref<1x16x768xf32, #tpu.memory_space<vmem>>
    %dma_wait3A_230 = tpu.memref_squeeze %dma_wait3A_229 : memref<1x16x768xf32, #tpu.memory_space<vmem>> -> memref<16x768xf32, #tpu.memory_space<vmem>>
    %dma_wait3A_231 = arith.constant 0 : i32
    %dma_wait3A_232 = tpu.memref_slice %arg4[%add3A_224, %dma_wait3A_231] : memref<32768x768xf32, #tpu.memory_space<hbm>> -> memref<16x768xf32, #tpu.memory_space<hbm>>
    %dma_wait3A_233 = tpu.memref_slice %arg8[%dma_wait3A_226] : memref<8x!tpu.dma_semaphore, #tpu.memory_space<semaphore_mem>> -> memref<1x!tpu.dma_semaphore, #tpu.memory_space<semaphore_mem>>
    %dma_wait3A_234 = tpu.memref_squeeze %dma_wait3A_233 : memref<1x!tpu.dma_semaphore, #tpu.memory_space<semaphore_mem>> -> memref<!tpu.dma_semaphore, #tpu.memory_space<semaphore_mem>>
    %dma_wait3A_235 = arith.constant 0 : i32
    %dma_wait3A_236 = tpu.memref_slice %arg4[%add3A_224, %dma_wait3A_235] : memref<32768x768xf32, #tpu.memory_space<hbm>> -> memref<16x768xf32, #tpu.memory_space<hbm>>
    %dma_wait3A_237 = arith.constant 0 : i32
    %dma_wait3A_238 = arith.constant 0 : i32
    %dma_wait3A_239 = tpu.memref_slice %arg6[%dma_wait3A_225, %dma_wait3A_237, %dma_wait3A_238] : memref<8x16x768xf32, #tpu.memory_space<vmem>> -> memref<1x16x768xf32, #tpu.memory_space<vmem>>
    %dma_wait3A_240 = tpu.memref_squeeze %dma_wait3A_239 : memref<1x16x768xf32, #tpu.memory_space<vmem>> -> memref<16x768xf32, #tpu.memory_space<vmem>>
    tpu.wait_dma2 semaphore(%dma_wait3A_234 : memref<!tpu.dma_semaphore, #tpu.memory_space<semaphore_mem>>) src(%dma_wait3A_240 : memref<16x768xf32, #tpu.memory_space<vmem>>) dst(%dma_wait3A_236 : memref<16x768xf32, #tpu.memory_space<hbm>>)
    return
  }
}

</mosaic_0001>

<sc_bundles>
// kernel: kernel.3.cloned.1.call-start
scs
__scs_entry_jumppad:
0x0: {  	(pc) =	sbr.rel $0x88, $3  }
0x1: {  	(tag) =	ssettag $0x0;
	lr =	simm.s32 $0x1  }
0x2: {  	[smem:$0x3F9F] =	sst lr;
	_ =	strace $0xD0000000  }
0x3: {  	_ = 	snop  }
0x4: {  	_ = 	snop  }
0x5: {  	_ = 	snop  }
0x6: {  	_ = 	snop  }
0x7: {  	_ = 	snop  }
__scs_overlays_trampoline_lowered:
0x8: {  	[smem:$0x3FAE] =	sst s0  }
0x9: {  	[smem:$0x3FAF] =	sst s1  }
0xa: {  	[smem:$0x3FB0] =	sst s2  }
0xb: {  	[smem:$0x3FB1] =	sst s3  }
0xc: {  	[smem:$0x3FB2] =	sst s4  }
0xd: {  	[smem:$0x3FB3] =	sst s5  }
0xe: {  	[smem:$0x3FB4] =	sst s6  }
0xf: {  	[smem:$0x3FB5] =	sst s7  }
0x10: {  	[smem:$0x3FB6] =	sst s8  }
0x11: {  	[smem:$0x3FB7] =	sst s9;
	s0 =	simm.s32 @!p0 $0x0  }
0x12: {  	s1 =	sld [smem:$0x3F9D];
	s0 =	simm.s32 @p0 $0x1  }
0x13: {  	[smem:$0x3FB8] =	sst s0;
	s0 =	simm.s32 @!p1 $0x0  }
0x14: {  	s2 =	sld [smem:$0x3F9C];
	s0 =	simm.s32 @p1 $0x1  }
0x15: {  	[smem:$0x3FB9] =	sst s0;
	s0 =	simm.s32 @!p2 $0x0  }
0x16: {  	s3 =	sld [smem:$0x3FDB];
	s0 =	simm.s32 @p2 $0x1  }
0x17: {  	s4 =	simm.s32 $0x1BF5;
	[smem:$0x3FBB] =	sst s0  }
0x18: {  	s0 =	sld [smem:$0x3F9E];
	_ =	swait.ge [sflag:s4], $0x0  }
0x19: {  	s7 =	sld [smem:$0x3F9F]  }
0x1a: {  	s8 =	sadd.s32 $0xFFFFE003, lr  }
0x1b: {  	s9 =	sadd.s32 $0xFFFFFEF7, lr;
	s5 =	simm.s32 $0xFFFFFFFF;
	p2 =	slt.u32 s8, $0xFFFFF086  }
0x1c: {  	p1 =	slt.u32 s9, $0xF7A;
	s5 =	simm.s32 @!p2 $0x0  }
0x1d: {  	s5 =	simm.s32 @p1 $0x1;
	p0 =	seq.s32 s7, s2  }
0x1e: {  	s7 =	smul.u32 @!p0 $0xF7A, s2;
	p2 =	seq.s32 @!p0 s5, $0x0  }
0x1f: {  	s9 =	smul.u32 $0xF7A, s1;
	s8 =	simm.s32 @!p0 $0x1BF5;
	p2 =	por !p2, p0  }
0x20: {  	[sflag:s8] =	ssyncset.s32 @!p0 $0xFFFFF086;
	s6 =	sadd.s32 @!p0 s3, s7;
	s7 =	simm.s32 @!p0 $0x108  }
0x21: {  	s3 =	sadd.s32 s3, s9;
	s6 =	sadd.s32 @!p0 $0x88, s6;
	s7 =	simm.s32 @p2 $0x1082  }
0x22: {  	[simem:s7], [sflag:s8] =	dma.local @!p0 [hbm:s6], $0xF7A  }
0x23: {  	s9 =	sor.u32 $0xD0000000, s2;
	s6 =	simm.s32 $0x108;
	_ =	swait.ge @!p0 [sflag:s8], $0x0  }
0x24: {  	s3 =	sadd.s32 $0x88, s3;
	s6 =	simm.s32 @!p1 $0x1082;
	[sflag:s4] =	ssyncset.s32 $0xFFFFF086  }
0x25: {  	[simem:s6], [sflag:s4] =	dma.local [hbm:s3], $0xF7A  }
0x26: {  	[smem:$0x3F9F] =	sst s1;
	(tag) =	ssettag s2;
	_ =	strace s9  }
0x27: {  	s1 =	sld [smem:$0x3FAF]  }
0x28: {  	s2 =	sld [smem:$0x3FB0]  }
0x29: {  	s4 =	sld [smem:$0x3FB2]  }
0x2a: {  	p0 =	seq.s32 s5, $0x0;
	s5 =	sld [smem:$0x3FB3]  }
0x2b: {  	s6 =	sld [smem:$0x3FB4]  }
0x2c: {  	s7 =	sld [smem:$0x3FB5]  }
0x2d: {  	s3 =	simm.s32 $0x108;
	s8 =	sld [smem:$0x3FB6]  }
0x2e: {  	s3 =	simm.s32 @!p0 $0x1082;
	s9 =	sld [smem:$0x3FB7]  }
0x2f: {  	lr =	sadd.s32 s0, s3;
	s0 =	sld [smem:$0x3FAE]  }
0x30: {  	s3 =	sld [smem:$0x3FB1]  }
0x31: {  	[smem:$0x3FBA] =	sst s10  }
0x32: {  	s10 =	sld [smem:$0x3FB8];
	_ =	sdelay $0x3  }
0x33: {  	p0 =	seq.s32 s10, $0x1;
	s10 =	sld [smem:$0x3FBA];
	_ =	sdelay $0x3  }
0x34: {  	[smem:$0x3FBA] =	sst s10  }
0x35: {  	s10 =	sld [smem:$0x3FB9];
	_ =	sdelay $0x3  }
0x36: {  	p1 =	seq.s32 s10, $0x1;
	s10 =	sld [smem:$0x3FBA];
	_ =	sdelay $0x3  }
0x37: {  	[smem:$0x3FBA] =	sst s10  }
0x38: {  	s10 =	sld [smem:$0x3FBB]  }
0x39: {  	_ = 	snop;
	(pc) =	sbr.ind lr, $3  }
0x3a: {  	_ = 	snop  }
0x3b: {  	_ = 	snop  }
0x3c: {  	p2 =	seq.s32 s10, $0x1;
	s10 =	sld [smem:$0x3FBA]  }
0x3d: {  	_ =	shalt  }
0x3e: {  	_ =	shalt  }
0x3f: {  	_ =	shalt  }
0x40: {  	_ =	shalt  }
0x41: {  	_ =	shalt  }
0x42: {  	_ =	shalt  }
0x43: {  	_ =	shalt  }
0x44: {  	_ =	shalt  }
0x45: {  	_ =	shalt  }
0x46: {  	_ =	shalt  }
0x47: {  	_ =	shalt  }
0x48: {  	_ =	shalt  }
0x49: {  	_ =	shalt  }
0x4a: {  	_ =	shalt  }
0x4b: {  	_ =	shalt  }
0x4c: {  	_ =	shalt  }
0x4d: {  	_ =	shalt  }
0x4e: {  	_ =	shalt  }
0x4f: {  	_ =	shalt  }
0x50: {  	_ =	shalt  }
0x51: {  	_ =	shalt  }
0x52: {  	_ =	shalt  }
0x53: {  	_ =	shalt  }
0x54: {  	_ =	shalt  }
0x55: {  	_ =	shalt  }
0x56: {  	_ =	shalt  }
0x57: {  	_ =	shalt  }
0x58: {  	_ =	shalt  }
0x59: {  	_ =	shalt  }
0x5a: {  	_ =	shalt  }
0x5b: {  	_ =	shalt  }
0x5c: {  	_ =	shalt  }
0x5d: {  	_ =	shalt  }
0x5e: {  	_ =	shalt  }
0x5f: {  	_ =	shalt  }
0x60: {  	_ =	shalt  }
0x61: {  	_ =	shalt  }
0x62: {  	_ =	shalt  }
0x63: {  	_ =	shalt  }
0x64: {  	_ =	shalt  }
0x65: {  	_ =	shalt  }
0x66: {  	_ =	shalt  }
0x67: {  	_ =	shalt  }
0x68: {  	_ =	shalt  }
0x69: {  	_ =	shalt  }
0x6a: {  	_ =	shalt  }
0x6b: {  	_ =	shalt  }
0x6c: {  	_ =	shalt  }
0x6d: {  	_ =	shalt  }
0x6e: {  	_ =	shalt  }
0x6f: {  	_ =	shalt  }
0x70: {  	_ =	shalt  }
0x71: {  	_ =	shalt  }
0x72: {  	_ =	shalt  }
0x73: {  	_ =	shalt  }
0x74: {  	_ =	shalt  }
0x75: {  	_ =	shalt  }
0x76: {  	_ =	shalt  }
0x77: {  	_ =	shalt  }
0x78: {  	_ =	shalt  }
0x79: {  	_ =	shalt  }
0x7a: {  	_ =	shalt  }
0x7b: {  	_ =	shalt  }
0x7c: {  	_ =	shalt  }
0x7d: {  	_ =	shalt  }
0x7e: {  	_ =	shalt  }
0x7f: {  	_ =	shalt  }
0x80: {  	_ =	shalt  }
0x81: {  	_ =	shalt  }
0x82: {  	_ =	shalt  }
0x83: {  	_ =	shalt  }
0x84: {  	_ =	shalt  }
0x85: {  	_ =	shalt  }
0x86: {  	_ =	shalt  }
0x87: {  	_ =	shalt  }
.Lfunc_end0:
.L_simem_size_0:
called_computation_lowered:
.L_overlay_start_0:
0x88: {  	s2 =	sld [smem:$0x3FD9]  }
0x89: {  	s3 =	sld [smem:$0x3FFE];
	_ =	sdelay $0x1  }
0x8a: {  	s1 =	srdreg.scid  }
0x8b: {  	s0 =	sand.u32 $0x1, s1  }
0x8c: {  	s17 =	sshll.u32 s0, $0xA;
	s2 =	sadd.s32 s3, s2  }
0x8d: {  	s2 =	sadd.s32 s2, s17  }
0x8e: {  	[smem:$0x3FC6] =	sst s2  }
0x8f: {  	_ = 	snop  }
0x90: {  	s2 =	sld [smem:$0x3FC8]  }
0x91: {  	s18 =	sld [smem:$0x3FD0];
	(tm) =	ssettm $0x1  }
0x92: {  	s4 =	sld [smem:$0x3FFB];
	_ =	sdelay $0x3  }
0x93: {  	_ =	strace s4  }
0x94: {  	s4 =	sld [smem:$0x3FFC];
	_ =	sdelay $0x3  }
0x95: {  	_ =	strace s4  }
0x96: {  	s4 =	sld [smem:$0x3FFD];
	_ =	sdelay $0x3  }
0x97: {  	_ =	strace s4  }
0x98: {  	_ =	strace $0x8FFFFFFF  }
0x99: {  	s19 =	sld [smem:$0x3FDB];
	_ =	sdelay $0x1  }
0x9a: {  	s5 =	simm.s32 $_scs_section_size  }
0x9b: {  	s6 =	simm.s32 $_size__tile_overlayer_lowered;
	s7 =	simm.s32 $_tile_overlayer_lowered  }
0x9c: {  	s22 =	simm.s32 $0x1BFF;
	s21 =	sshll.u32 s7, $0x1;
	s4 =	sadd.s32 s5, s19  }
0x9d: {  	s8 =	simm.s32 $0x0;
	s20 =	sshll.u32 s6, $0x1;
	s6 =	sadd.s32 s21, s4  }
0x9e: {  	[timem:s8], [sflag:s22] =	dma.local [hbm:s6], s20  }
0x9f: {  	_ =	swait.ge [sflag:s22], s20  }
0xa0: {  	s5 =	ssub.s32 $0x0, s20;
	[sflag:s22] =	ssyncset.done $0x0  }
0xa1: {  	[sflag:s22] =	ssyncadd.s32 s5;
	_ =	sdelay $0x1  }
0xa2: {  	s23 =	simm.s32 $0x1B8B  }
0xa3: {  	_ =	swait.ge [sflag:s23], $0x1  }
0xa4: {  	[sflag:s23] =	ssyncset.done $0x0  }
0xa5: {  	s25 =	simm.s32 $0x1B8E;
	s24 =	sld [smem:$0x3FFE];
	[sflag:s23] =	ssyncadd.s32 $0xFFFFFFFF  }
0xa6: {  	s26 =	simm.s32 $execute0_lowered;
	[smem:$0x3FD2] =	sst s25  }
0xa7: {  	s6 =	sshll.u32 s26, $0x1;
	_ =	strace $0x80000046;
	[dreg:$0x1] =	wrdreg $0xFFFFFFFF  }
0xa8: {  	s28 =	simm.s32 $_size_execute0_lowered;
	s4 =	sadd.s32 s4, s6;
	[dreg:$0x0] =	wrdreg $0x0  }
0xa9: {  	s6 =	sshll.u32 s28, $0x1;
	[dreg:$0x2] =	wrdreg s4  }
0xaa: {  	[dreg:$0x3] =	wrdreg s6  }
0xab: {  	[dreg:$0x4] =	wrdreg $0xC0  }
0xac: {  	_ =	task [dreg:s8], $0x5FFFF  }
0xad: {  	[dreg:$0x1] =	wrdreg $0xFFFFFFFF  }
0xae: {  	[dreg:$0x0] =	wrdreg $0x60  }
0xaf: {  	[dreg:$0x2] =	wrdreg s24  }
0xb0: {  	[dreg:$0x3] =	wrdreg s2  }
0xb1: {  	[dreg:$0x4] =	wrdreg s18  }
0xb2: {  	[dreg:$0x5] =	wrdreg $0x9  }
0xb3: {  	_ =	task.clear_ibuf [dreg:s8], $0x6FFFF;
	_ =	strace $0x90000046  }
0xb4: {  	s29 =	simm.s32 $0x9;
	_ =	strace $0x80000048  }
0xb5: {  	_ =	swait.ge [sflag:s29], $0x1  }
0xb6: {  	[sflag:s29] =	ssyncadd.s32 $0xFFFFFFFF  }
0xb7: {  	_ =	strace $0x90000048  }
0xb8: {  	_ =	sfence  }
0xb9: {  	s30 =	sld [smem:$0x0];
	_ =	sdelay $0x2  }
0xba: {  	s31 =	sshll.u32 s1, $0xD;
	s1 =	sshrl.u32 s1, $0x2  }
0xbb: {  	s3 =	sand.u32 $0x4000, s31;
	s1 =	sadd.s32 s1, s30  }
0xbc: {  	s0 =	sor.u32 s3, s0;
	s1 =	sshll.u32 s1, $0x11  }
0xbd: {  	s0 =	sor.u32 s1, s0  }
0xbe: {  	s0 =	sadd.s32 $0x8F2B, s0  }
0xbf: {  	[sflag:s0] =	ssyncadd.remote.s32 $0x1  }
0xc0: {  	_ =	sfence.sel $0xFFFF  }
0xc1: {  	[dreg:$0x0] =	wrdreg $0xFFFFFFFF;
	(pc) =	sbr.abs _section_cstart, $3  }
0xc2: {  	[dreg:$0x1] =	wrdreg $0xFFFFFFFF  }
0xc3: {  	_ =	task.clear_ibuf [dreg:s8], $0x2FFFF;
	_ =	strace $0x9FFFFFFF  }
0xc4: {  	(tm) =	ssettm $0x7FFFFFFF  }
0xc5: {  	_ =	shalt  }
tec
execute0_lowered:
.L_overlay_start_1:
0x0: {  	(tag) =	ssettag $0x1  }
0x1: {  	s0 =	rddreg [dreg:$0x0]  }
0x2: {  	s2 =	rddreg [dreg:$0x1]  }
0x3: {  	s1 =	rddreg [dreg:$0x2]  }
0x4: {  	s3 =	srdreg.scid;
	s5 =	stileid.u32  }
0x5: {  	s9 =	simm.s32 $0x11;
	s22 =	simm.s32 $0x11C00;
	s23 =	simm.s32 $0x12400  }
0x6: {  	s24 =	simm.s32 $0x12C00;
	s25 =	simm.s32 $0x13400;
	s28 =	simm.s32 $0x14400  }
0x7: {  	s29 =	simm.s32 $0x14C00;
	s30 =	simm.s32 $0x9;
	s31 =	simm.s32 $0xA  }
0x8: {  	s10 =	simm.s32 $0xD;
	s11 =	simm.s32 $0xE;
	s12 =	simm.s32 $0xF  }
0x9: {  	s13 =	simm.s32 $0x10;
	s14 =	simm.s32 $0x0;
	s4 =	sand.u32 $0x1, s3  }
0xa: {  	s3 =	simm.s32 $0x0;
	s5 =	sshll.u32 s5, $0xB;
	s6 =	sshll.u32 s4, $0xA  }
0xb: {  	[smem:$0x7FF] =	sst s3;
	s4 =	ssub.s32 $0x2, s4;
	s5 =	sor.u32 s6, s5  }
.Ltmp0:
0xc: {  	_ =	strace $0x80000047;
	s26 =	sshrl.u32 s4, $0x1;
	(pc) =	sbr.rel .LBB2_1-.Ltmp0, $4  }
0xd: {  	s6 =	sadd.s32 $0x200, s2;
	s5 =	sshrl.u32 s5, $0x3;
	s7 =	ssub.s32 s4, s26  }
0xe: {  	v2 =	vlaneseq.u32;
	s26 =	simm.s32 $0x13C00;
	s0 =	sadd.s32 s5, s0;
	s8 =	smul.u32 $0x300, s5  }
0xf: {  	vm0 =	vmmov $0xffff;
	v1 =	vshrl.u32 v2, $0x3;
	s5 =	sadd.s32 $0x100, s2;
	s7 =	smax.u32 s7, $0x1;
	s4 =	sadd.s32 $0x400, s0  }
0x10: {  	v0 =	vand.u32 $0x7, v2;
	v2 =	vor.u32 $0x8, v2;
	v1 =	vmul.u32 $0x8, v1;
	s0 =	simm.s32 $0xB;
	s17 =	sadd.s32 s8, s1;
	s1 =	simm.s32 $0xC  }
.LBB2_8:
0x11: {  	_ =	swait.ge [sflag:s30], $0x3000  }
0x12: {  	[sflag:s30] =	ssyncset.done $0x0  }
0x13: {  	[sflag:s30] =	ssyncadd.s32 $0xFFFFD000  }
0x14: {  	_ =	swait.ge [sflag:s31], $0x3000  }
0x15: {  	[sflag:s31] =	ssyncset.done $0x0  }
0x16: {  	[sflag:s31] =	ssyncadd.s32 $0xFFFFD000  }
0x17: {  	_ =	swait.ge [sflag:s0], $0x3000  }
0x18: {  	[sflag:s0] =	ssyncset.done $0x0  }
0x19: {  	[sflag:s0] =	ssyncadd.s32 $0xFFFFD000  }
0x1a: {  	_ =	swait.ge [sflag:s1], $0x3000  }
0x1b: {  	[sflag:s1] =	ssyncset.done $0x0  }
0x1c: {  	[sflag:s1] =	ssyncadd.s32 $0xFFFFD000  }
0x1d: {  	_ =	swait.ge [sflag:s10], $0x3000  }
0x1e: {  	[sflag:s10] =	ssyncset.done $0x0  }
0x1f: {  	[sflag:s10] =	ssyncadd.s32 $0xFFFFD000  }
0x20: {  	_ =	swait.ge [sflag:s11], $0x3000  }
0x21: {  	[sflag:s11] =	ssyncset.done $0x0  }
0x22: {  	s14 =	sadd.s32 $0x1, s14;
	[sflag:s11] =	ssyncadd.s32 $0xFFFFD000  }
0x23: {  	p0 =	sne.s32 s14, s7;
	_ =	swait.ge [sflag:s12], $0x3000  }
.Ltmp1:
0x24: {  	[sflag:s12] =	ssyncset.done $0x0;
	(pc) =	sbr.rel @!p0 .LBB2_9-.Ltmp1, $4  }
0x25: {  	[sflag:s12] =	ssyncadd.s32 $0xFFFFD000  }
0x26: {  	_ =	swait.ge [sflag:s13], $0x3000  }
0x27: {  	[sflag:s13] =	ssyncset.done $0x0  }
0x28: {  	[sflag:s13] =	ssyncadd.s32 $0xFFFFD000  }
.LBB2_1:
0x29: {  	[tilespmem:s3], [sflag:$0x11] =	stream.linear.gather [hbm4b:s4+s3], $0x400, $0x38;
	[tilespmem:$0x18400] =	vst v63  }
0x2a: {  	_ =	swait.ge [sflag:s9], $0x400  }
0x2b: {  	[sflag:s9] =	ssyncset.done $0x0  }
0x2c: {  	[sflag:s9] =	ssyncadd.s32 $0xFFFFFC00  }
0x2d: {  	v3 =	vld [tilespmem:$0x0];
	_ =	sdelay $0x4  }
0x2e: {  	v4 =	vshrl.u32 v3, $0x3  }
0x2f: {  	v4 =	vmul.u32 $0x30, v4  }
0x30: {  	v3 =	vand.u32 $0x7, v3  }
0x31: {  	v3 =	vor.u32 v3, v4  }
0x32: {  	v4 =	vperm.xlane v3, v0;
	_ =	sdelay $0x1  }
0x33: {  	v4 =	vadd.s32 v1, v4;
	_ =	sdelay $0x3  }
0x34: {  	s8 =	simm.s32 $0x400;
	v3 =	vperm.xlane v3, v2  }
0x35: {  	[tilespmem:s8], [sflag:$0x1] =	stream.indirect_vreg.gather [hbm4b:s2+s3], $0x80, v4, vm0, $0xb8;
	[tilespmem:$0x18400] =	vst v63  }
0x36: {  	s18 =	simm.s32 $0xC00;
	v3 =	vadd.s32 v1, v3  }
0x37: {  	[tilespmem:s18], [sflag:$0x1] =	stream.indirect_vreg.gather [hbm4b:s5+s3], $0x80, v4, vm0, $0xb8;
	[tilespmem:$0x18400] =	vst v63  }
0x38: {  	s19 =	simm.s32 $0x1400  }
0x39: {  	[tilespmem:s19], [sflag:$0x1] =	stream.indirect_vreg.gather [hbm4b:s6+s3], $0x80, v4, vm0, $0xb8;
	[tilespmem:$0x18400] =	vst v63  }
0x3a: {  	s20 =	simm.s32 $0x1C00  }
0x3b: {  	[tilespmem:s20], [sflag:$0x1] =	stream.indirect_vreg.gather [hbm4b:s2+s3], $0x80, v3, vm0, $0xb8;
	[tilespmem:$0x18400] =	vst v63  }
0x3c: {  	s21 =	simm.s32 $0x2400  }
0x3d: {  	[tilespmem:s21], [sflag:$0x1] =	stream.indirect_vreg.gather [hbm4b:s5+s3], $0x80, v3, vm0, $0xb8;
	[tilespmem:$0x18400] =	vst v63  }
0x3e: {  	s15 =	simm.s32 $0x2C00  }
0x3f: {  	[tilespmem:s15], [sflag:$0x1] =	stream.indirect_vreg.gather [hbm4b:s6+s3], $0x80, v3, vm0, $0xb8;
	[tilespmem:$0x18400] =	vst v63  }
0x40: {  	v3 =	vld [tilespmem:$0x10];
	_ =	sdelay $0x4  }
0x41: {  	v58 =	vshrl.u32 v3, $0x3  }
0x42: {  	v4 =	vmul.u32 $0x30, v58  }
0x43: {  	v3 =	vand.u32 $0x7, v3  }
0x44: {  	v3 =	vor.u32 v3, v4  }
0x45: {  	v4 =	vperm.xlane v3, v0;
	_ =	sdelay $0x1  }
0x46: {  	v4 =	vadd.s32 v1, v4;
	_ =	sdelay $0x3  }
0x47: {  	s16 =	simm.s32 $0x3400;
	v3 =	vperm.xlane v3, v2  }
0x48: {  	[tilespmem:s16], [sflag:$0x2] =	stream.indirect_vreg.gather [hbm4b:s2+s3], $0x80, v4, vm0, $0xb8;
	[tilespmem:$0x18400] =	vst v63  }
0x49: {  	s18 =	simm.s32 $0x3C00;
	v3 =	vadd.s32 v1, v3  }
0x4a: {  	[tilespmem:s18], [sflag:$0x2] =	stream.indirect_vreg.gather [hbm4b:s5+s3], $0x80, v4, vm0, $0xb8;
	[tilespmem:$0x18400] =	vst v63  }
0x4b: {  	s19 =	simm.s32 $0x4400  }
0x4c: {  	[tilespmem:s19], [sflag:$0x2] =	stream.indirect_vreg.gather [hbm4b:s6+s3], $0x80, v4, vm0, $0xb8;
	[tilespmem:$0x18400] =	vst v63  }
0x4d: {  	s20 =	simm.s32 $0x4C00  }
0x4e: {  	[tilespmem:s20], [sflag:$0x2] =	stream.indirect_vreg.gather [hbm4b:s2+s3], $0x80, v3, vm0, $0xb8;
	[tilespmem:$0x18400] =	vst v63  }
0x4f: {  	s21 =	simm.s32 $0x5400  }
0x50: {  	[tilespmem:s21], [sflag:$0x2] =	stream.indirect_vreg.gather [hbm4b:s5+s3], $0x80, v3, vm0, $0xb8;
	[tilespmem:$0x18400] =	vst v63  }
0x51: {  	s15 =	simm.s32 $0x5C00  }
0x52: {  	[tilespmem:s15], [sflag:$0x2] =	stream.indirect_vreg.gather [hbm4b:s6+s3], $0x80, v3, vm0, $0xb8;
	[tilespmem:$0x18400] =	vst v63  }
0x53: {  	v3 =	vld [tilespmem:$0x20];
	_ =	sdelay $0x4  }
0x54: {  	v59 =	vshrl.u32 v3, $0x3  }
0x55: {  	v4 =	vmul.u32 $0x30, v59  }
0x56: {  	v3 =	vand.u32 $0x7, v3  }
0x57: {  	v3 =	vor.u32 v3, v4  }
0x58: {  	v4 =	vperm.xlane v3, v0;
	_ =	sdelay $0x1  }
0x59: {  	v4 =	vadd.s32 v1, v4;
	_ =	sdelay $0x3  }
0x5a: {  	s16 =	simm.s32 $0x6400;
	v3 =	vperm.xlane v3, v2  }
0x5b: {  	[tilespmem:s16], [sflag:$0x3] =	stream.indirect_vreg.gather [hbm4b:s2+s3], $0x80, v4, vm0, $0xb8;
	[tilespmem:$0x18400] =	vst v63  }
0x5c: {  	s18 =	simm.s32 $0x6C00;
	v3 =	vadd.s32 v1, v3  }
0x5d: {  	[tilespmem:s18], [sflag:$0x3] =	stream.indirect_vreg.gather [hbm4b:s5+s3], $0x80, v4, vm0, $0xb8;
	[tilespmem:$0x18400] =	vst v63  }
0x5e: {  	s19 =	simm.s32 $0x7400  }
0x5f: {  	[tilespmem:s19], [sflag:$0x3] =	stream.indirect_vreg.gather [hbm4b:s6+s3], $0x80, v4, vm0, $0xb8;
	[tilespmem:$0x18400] =	vst v63  }
0x60: {  	s20 =	simm.s32 $0x7C00  }
0x61: {  	[tilespmem:s20], [sflag:$0x3] =	stream.indirect_vreg.gather [hbm4b:s2+s3], $0x80, v3, vm0, $0xb8;
	[tilespmem:$0x18400] =	vst v63  }
0x62: {  	s21 =	simm.s32 $0x8400  }
0x63: {  	[tilespmem:s21], [sflag:$0x3] =	stream.indirect_vreg.gather [hbm4b:s5+s3], $0x80, v3, vm0, $0xb8;
	[tilespmem:$0x18400] =	vst v63  }
0x64: {  	s15 =	simm.s32 $0x8C00  }
0x65: {  	[tilespmem:s15], [sflag:$0x3] =	stream.indirect_vreg.gather [hbm4b:s6+s3], $0x80, v3, vm0, $0xb8;
	[tilespmem:$0x18400] =	vst v63  }
0x66: {  	v3 =	vld [tilespmem:$0x30];
	_ =	sdelay $0x4  }
0x67: {  	v60 =	vshrl.u32 v3, $0x3  }
0x68: {  	v4 =	vmul.u32 $0x30, v60  }
0x69: {  	v3 =	vand.u32 $0x7, v3  }
0x6a: {  	v3 =	vor.u32 v3, v4  }
0x6b: {  	v4 =	vperm.xlane v3, v0;
	_ =	sdelay $0x1  }
0x6c: {  	v4 =	vadd.s32 v1, v4;
	_ =	sdelay $0x3  }
0x6d: {  	s16 =	simm.s32 $0x9400;
	v3 =	vperm.xlane v3, v2  }
0x6e: {  	[tilespmem:s16], [sflag:$0x4] =	stream.indirect_vreg.gather [hbm4b:s2+s3], $0x80, v4, vm0, $0xb8;
	[tilespmem:$0x18400] =	vst v63  }
0x6f: {  	s18 =	simm.s32 $0x9C00;
	v3 =	vadd.s32 v1, v3  }
0x70: {  	[tilespmem:s18], [sflag:$0x4] =	stream.indirect_vreg.gather [hbm4b:s5+s3], $0x80, v4, vm0, $0xb8;
	[tilespmem:$0x18400] =	vst v63  }
0x71: {  	s19 =	simm.s32 $0xA400  }
0x72: {  	[tilespmem:s19], [sflag:$0x4] =	stream.indirect_vreg.gather [hbm4b:s6+s3], $0x80, v4, vm0, $0xb8;
	[tilespmem:$0x18400] =	vst v63  }
0x73: {  	s20 =	simm.s32 $0xAC00  }
0x74: {  	[tilespmem:s20], [sflag:$0x4] =	stream.indirect_vreg.gather [hbm4b:s2+s3], $0x80, v3, vm0, $0xb8;
	[tilespmem:$0x18400] =	vst v63  }
0x75: {  	s21 =	simm.s32 $0xB400  }
0x76: {  	[tilespmem:s21], [sflag:$0x4] =	stream.indirect_vreg.gather [hbm4b:s5+s3], $0x80, v3, vm0, $0xb8;
	[tilespmem:$0x18400] =	vst v63  }
0x77: {  	s15 =	simm.s32 $0xBC00  }
0x78: {  	[tilespmem:s15], [sflag:$0x4] =	stream.indirect_vreg.gather [hbm4b:s6+s3], $0x80, v3, vm0, $0xb8;
	[tilespmem:$0x18400] =	vst v63  }
0x79: {  	v3 =	vld [tilespmem:$0x40];
	_ =	sdelay $0x4  }
0x7a: {  	v61 =	vshrl.u32 v3, $0x3  }
0x7b: {  	v4 =	vmul.u32 $0x30, v61  }
0x7c: {  	v3 =	vand.u32 $0x7, v3  }
0x7d: {  	v3 =	vor.u32 v3, v4  }
0x7e: {  	v4 =	vperm.xlane v3, v0;
	_ =	sdelay $0x1  }
0x7f: {  	v4 =	vadd.s32 v1, v4;
	_ =	sdelay $0x3  }
0x80: {  	s16 =	simm.s32 $0xC400;
	v3 =	vperm.xlane v3, v2  }
0x81: {  	[tilespmem:s16], [sflag:$0x5] =	stream.indirect_vreg.gather [hbm4b:s2+s3], $0x80, v4, vm0, $0xb8;
	[tilespmem:$0x18400] =	vst v63  }
0x82: {  	s18 =	simm.s32 $0xCC00;
	v3 =	vadd.s32 v1, v3  }
0x83: {  	[tilespmem:s18], [sflag:$0x5] =	stream.indirect_vreg.gather [hbm4b:s5+s3], $0x80, v4, vm0, $0xb8;
	[tilespmem:$0x18400] =	vst v63  }
0x84: {  	s19 =	simm.s32 $0xD400  }
0x85: {  	[tilespmem:s19], [sflag:$0x5] =	stream.indirect_vreg.gather [hbm4b:s6+s3], $0x80, v4, vm0, $0xb8;
	[tilespmem:$0x18400] =	vst v63  }
0x86: {  	s20 =	simm.s32 $0xDC00  }
0x87: {  	[tilespmem:s20], [sflag:$0x5] =	stream.indirect_vreg.gather [hbm4b:s2+s3], $0x80, v3, vm0, $0xb8;
	[tilespmem:$0x18400] =	vst v63  }
0x88: {  	s21 =	simm.s32 $0xE400  }
0x89: {  	[tilespmem:s21], [sflag:$0x5] =	stream.indirect_vreg.gather [hbm4b:s5+s3], $0x80, v3, vm0, $0xb8;
	[tilespmem:$0x18400] =	vst v63  }
0x8a: {  	s15 =	simm.s32 $0xEC00  }
0x8b: {  	[tilespmem:s15], [sflag:$0x5] =	stream.indirect_vreg.gather [hbm4b:s6+s3], $0x80, v3, vm0, $0xb8;
	[tilespmem:$0x18400] =	vst v63  }
0x8c: {  	v3 =	vld [tilespmem:$0x50];
	_ =	sdelay $0x4  }
0x8d: {  	v62 =	vshrl.u32 v3, $0x3  }
0x8e: {  	v4 =	vmul.u32 $0x30, v62  }
0x8f: {  	v3 =	vand.u32 $0x7, v3  }
0x90: {  	v3 =	vor.u32 v3, v4  }
0x91: {  	v4 =	vperm.xlane v3, v0;
	_ =	sdelay $0x1  }
0x92: {  	v4 =	vadd.s32 v1, v4;
	_ =	sdelay $0x3  }
0x93: {  	s16 =	simm.s32 $0xF400;
	v3 =	vperm.xlane v3, v2  }
0x94: {  	[tilespmem:s16], [sflag:$0x6] =	stream.indirect_vreg.gather [hbm4b:s2+s3], $0x80, v4, vm0, $0xb8;
	[tilespmem:$0x18400] =	vst v63  }
0x95: {  	s18 =	simm.s32 $0xFC00;
	v3 =	vadd.s32 v1, v3  }
0x96: {  	[tilespmem:s18], [sflag:$0x6] =	stream.indirect_vreg.gather [hbm4b:s5+s3], $0x80, v4, vm0, $0xb8;
	[tilespmem:$0x18400] =	vst v63  }
0x97: {  	s19 =	simm.s32 $0x10400  }
0x98: {  	[tilespmem:s19], [sflag:$0x6] =	stream.indirect_vreg.gather [hbm4b:s6+s3], $0x80, v4, vm0, $0xb8;
	[tilespmem:$0x18400] =	vst v63  }
0x99: {  	s20 =	simm.s32 $0x10C00  }
0x9a: {  	[tilespmem:s20], [sflag:$0x6] =	stream.indirect_vreg.gather [hbm4b:s2+s3], $0x80, v3, vm0, $0xb8;
	[tilespmem:$0x18400] =	vst v63  }
0x9b: {  	s21 =	simm.s32 $0x11400  }
0x9c: {  	[tilespmem:s21], [sflag:$0x6] =	stream.indirect_vreg.gather [hbm4b:s5+s3], $0x80, v3, vm0, $0xb8;
	[tilespmem:$0x18400] =	vst v63  }
0x9d: {  	_ = 	snop  }
0x9e: {  	[tilespmem:s22], [sflag:$0x6] =	stream.indirect_vreg.gather [hbm4b:s6+s3], $0x80, v3, vm0, $0xb8;
	[tilespmem:$0x18400] =	vst v63  }
0x9f: {  	v3 =	vld [tilespmem:$0x60];
	_ =	sdelay $0x4  }
0xa0: {  	v63 =	vshrl.u32 v3, $0x3  }
0xa1: {  	v4 =	vmul.u32 $0x30, v63  }
0xa2: {  	v3 =	vand.u32 $0x7, v3  }
0xa3: {  	v3 =	vor.u32 v3, v4  }
0xa4: {  	v4 =	vperm.xlane v3, v0;
	_ =	sdelay $0x1  }
0xa5: {  	v4 =	vadd.s32 v1, v4;
	_ =	sdelay $0x3  }
0xa6: {  	v3 =	vperm.xlane v3, v2  }
0xa7: {  	[tilespmem:s23], [sflag:$0x7] =	stream.indirect_vreg.gather [hbm4b:s2+s3], $0x80, v4, vm0, $0xb8;
	[tilespmem:$0x18400] =	vst v63  }
0xa8: {  	v3 =	vadd.s32 v1, v3  }
0xa9: {  	[tilespmem:s24], [sflag:$0x7] =	stream.indirect_vreg.gather [hbm4b:s5+s3], $0x80, v4, vm0, $0xb8;
	[tilespmem:$0x18400] =	vst v63  }
0xaa: {  	_ = 	snop  }
0xab: {  	[tilespmem:s25], [sflag:$0x7] =	stream.indirect_vreg.gather [hbm4b:s6+s3], $0x80, v4, vm0, $0xb8;
	[tilespmem:$0x18400] =	vst v63  }
0xac: {  	_ = 	snop  }
0xad: {  	[tilespmem:s26], [sflag:$0x7] =	stream.indirect_vreg.gather [hbm4b:s2+s3], $0x80, v3, vm0, $0xb8;
	[tilespmem:$0x18400] =	vst v63  }
.Ltmp2:
0xae: {  	_ = 	snop;
	(pc) =	sbr.rel .LBB2_2-.Ltmp2, $4  }
0xaf: {  	_ = 	snop  }
0xb0: {  	[tilespmem:s28], [sflag:$0x7] =	stream.indirect_vreg.gather [hbm4b:s5+s3], $0x80, v3, vm0, $0xb8;
	[tilespmem:$0x18400] =	vst v63  }
0xb1: {  	s8 =	smov.u32 s17;
	s15 =	simm.s32 $0x70;
	s16 =	simm.s32 $0xFFFFFFFF  }
0xb2: {  	[tilespmem:s29], [sflag:$0x7] =	stream.indirect_vreg.gather [hbm4b:s6+s3], $0x80, v3, vm0, $0xb8;
	[tilespmem:$0x18400] =	vst v63  }
.LBB2_3:
0xb3: {  	s18 =	sand.u32 $0x7, s18  }
0xb4: {  	s19 =	sadd.s32 $0x9, s18  }
0xb5: {  	_ =	swait.ge [sflag:s19], $0x3000  }
0xb6: {  	[sflag:s19] =	ssyncset.done $0x0  }
0xb7: {  	[sflag:s19] =	ssyncadd.s32 $0xFFFFD000  }
.LBB2_6:
0xb8: {  	v3 =	vld [tilespmem:s15+$0x0];
	_ =	sdelay $0x4  }
0xb9: {  	v4 =	vshrl.u32 v3, $0x3  }
0xba: {  	v4 =	vmul.u32 $0x30, v4  }
0xbb: {  	v3 =	vand.u32 $0x7, v3  }
0xbc: {  	v3 =	vor.u32 v3, v4  }
0xbd: {  	v4 =	vperm.xlane v3, v0;
	_ =	sdelay $0x1  }
0xbe: {  	v4 =	vadd.s32 v1, v4  }
0xbf: {  	s19 =	smul.u32 $0xC000, s18;
	_ =	sdelay $0x1  }
0xc0: {  	s19 =	sshrl.u32 s19, $0x2  }
0xc1: {  	s18 =	sadd.s32 $0x1, s18;
	s20 =	sor.u32 $0x400, s19;
	v3 =	vperm.xlane v3, v2  }
0xc2: {  	[tilespmem:s20], [sflag:s18] =	stream.indirect_vreg.gather [hbm4b:s2+s3], $0x80, v4, vm0, $0xb8;
	[tilespmem:$0x18400] =	vst v63  }
0xc3: {  	s21 =	sor.u32 $0xC00, s19;
	v3 =	vadd.s32 v1, v3  }
0xc4: {  	[tilespmem:s21], [sflag:s18] =	stream.indirect_vreg.gather [hbm4b:s5+s3], $0x80, v4, vm0, $0xb8;
	[tilespmem:$0x18400] =	vst v63  }
0xc5: {  	s21 =	sadd.s32 $0x1400, s19  }
0xc6: {  	[tilespmem:s21], [sflag:s18] =	stream.indirect_vreg.gather [hbm4b:s6+s3], $0x80, v4, vm0, $0xb8;
	[tilespmem:$0x18400] =	vst v63  }
0xc7: {  	s21 =	sadd.s32 $0x1C00, s19  }
0xc8: {  	[tilespmem:s21], [sflag:s18] =	stream.indirect_vreg.gather [hbm4b:s2+s3], $0x80, v3, vm0, $0xb8;
	[tilespmem:$0x18400] =	vst v63  }
0xc9: {  	s21 =	sadd.s32 $0x2400, s19  }
0xca: {  	[tilespmem:s21], [sflag:s18] =	stream.indirect_vreg.gather [hbm4b:s5+s3], $0x80, v3, vm0, $0xb8;
	[tilespmem:$0x18400] =	vst v63  }
0xcb: {  	s19 =	sadd.s32 $0x2C00, s19  }
0xcc: {  	[tilespmem:s19], [sflag:s18] =	stream.indirect_vreg.gather [hbm4b:s6+s3], $0x80, v3, vm0, $0xb8;
	[tilespmem:$0x18400] =	vst v63  }
.LBB2_7:
0xcd: {  	p0 =	sne.s32 s16, $0x3F  }
.Ltmp3:
0xce: {  	_ = 	snop;
	(pc) =	sbr.rel @!p0 .LBB2_8-.Ltmp3, $2  }
0xcf: {  	_ =	sdelay $0x2  }
0xd0: {  	s15 =	sadd.s32 $0x10, s15;
	s8 =	sadd.s32 $0x600, s8  }
.LBB2_2:
0xd1: {  	s18 =	smov.u32 s16;
	s16 =	sadd.s32 $0x1, s16  }
0xd2: {  	s19 =	sand.u32 $0x7, s16  }
0xd3: {  	p0 =	sgt.u32 s18, $0x37;
	s21 =	smul.u32 $0xC000, s19  }
.Ltmp4:
0xd4: {  	s20 =	sadd.s32 $0x1, s19;
	(pc) =	sbr.rel @!p0 .LBB2_3-.Ltmp4, $4  }
0xd5: {  	_ =	swait.ge [sflag:s20], $0x3000  }
0xd6: {  	s18 =	sadd.s32 $0x8, s18;
	[sflag:s20] =	ssyncset.done $0x0;
	s21 =	sshrl.u32 s21, $0x2  }
0xd7: {  	s19 =	sadd.s32 $0x9, s19;
	[sflag:s20] =	ssyncadd.s32 $0xFFFFD000;
	s21 =	sor.u32 $0x400, s21  }
0xd8: {  	[hbm4b:s8+s3] =	stream.linear.scatter [tilespmem:s21], [sflag:s19], $0x3000, $0x38;
	[tilespmem:$0x18400] =	vst v63  }
0xd9: {  	p0 =	sgt.u32 s16, $0x38  }
.Ltmp5:
0xda: {  	_ = 	snop;
	(pc) =	sbr.rel @p0 .LBB2_7-.Ltmp5, $1  }
0xdb: {  	_ =	sdelay $0x3  }
.Ltmp6:
0xdc: {  	(pc) =	sbr.rel .LBB2_6-.Ltmp6, $2  }
0xdd: {  	_ =	sdelay $0x2  }
0xde: {  	s18 =	sand.u32 $0x7, s18  }
.LBB2_9:
0xdf: {  	_ =	sfence.sel $0x180000  }
0xe0: {  	[bflag:$0x0] =	sbarrier.arrive $0xFFFF  }
0xe1: {  	_ =	strace $0x90000047  }
0xe2: {  	s0 =	stileid.u32;
	[bflag:$0x2] =	sbarrier.arrive $0xFFFF  }
0xe3: {  	p0 =	sne.s32 s0, $0x0;
	s0 =	rddreg [dreg:$0x3]  }
0xe4: {  	s0 =	sadd.s32 @!p0 $0x100000, s0  }
0xe5: {  	[sflag:s0] =	ssyncadd.tile.s32 @!p0 $0x1;
	_ =	shalt  }
.Lfunc_end2:
_tile_overlayer_lowered:
.L_overlay_start_2:
0xe6: {  	(tag) =	ssettag $0x2  }
0xe7: {  	s0 =	rddreg [dreg:$0x0];
	s2 =	stileid.u32  }
0xe8: {  	s1 =	rddreg [dreg:$0x1];
	p0 =	sne.s32 s2, $0x0  }
0xe9: {  	s3 =	rddreg [dreg:$0x2];
	[bflag:$0x3] =	sbarrier.arrive $0xFFFF;
	s2 =	simm.s32 @!p0 $0x1C11  }
0xea: {  	[timem:s3], [sflag:s2] =	dma.local @!p0 [hbm:s0], s1  }
0xeb: {  	s0 =	simm.s32 @!p0 $0x11  }
0xec: {  	_ =	swait.ge @!p0 [sflag:s0], s1  }
0xed: {  	s1 =	ssub.s32 @!p0 $0x0, s1;
	[sflag:s0] =	ssyncset.done @!p0 $0x0  }
0xee: {  	[sflag:s0] =	ssyncadd.s32 @!p0 s1  }
0xef: {  	[bflag:$0x3] =	sbarrier.arrive $0xFFFF  }
0xf0: {  	_ =	shalt  }

</sc_bundles>
